<compile_context>
chip_gen: v7x
topology: tpu7x:2x2x1
jax: 0.10.2.dev20260603
libtpu: 0.0.44.dev20260713+nightly
codegen_flags: <defaults>
</compile_context>

<pallas_src>
import functools

import jax
import jax.numpy as jnp
from jax import lax
from jax.experimental import pallas as pl
from jax.experimental.pallas import tpu as pltpu
from jax.experimental.pallas import tpu_sc as plsc

_N = 10000
_E = 320000
_H = 128
_C = 10
_G = 128

_NTILES = 16
_EPT = _E // _NTILES
_NPAD = 10240
_NPT = _NPAD // _NTILES
_PB = 144


def _rsqrt16(x):
    i = lax.bitcast_convert_type(x, jnp.int32)
    i = jnp.int32(0x5F3759DF) - (i >> 1)
    y = lax.bitcast_convert_type(i, jnp.float32)
    for _ in range(3):
        y = y * (1.5 - 0.5 * x * y * y)
    return y


def _fill(ref, n, value):
    vec = jnp.full((16,), value, dtype=jnp.float32)

    def body(i, _):
        ref[pl.ds(i * 16, 16)] = vec
        return 0

    lax.fori_loop(0, n // 16, body, 0)


def _sc_graph_body(src_hbm, dst_hbm, gid_hbm,
                   pool_out, cnt_out,
                   src_full, dst_full, gid_v,
                   nb_a, nb_b, nb_c, nb_z, ones_v,
                   pool_v, cnt_v, dma_sem,
                   deg_in_sh, deg_out_sh, ns_sh, nd_sh,
                   x_sh, acc_sh, pool_sh, cnt_sh):
    sid = lax.axis_index("s")
    cid = lax.axis_index("c")
    nbase = sid * _NPT

    pltpu.sync_copy(src_hbm.at[sid], src_full)
    pltpu.sync_copy(dst_hbm.at[sid], dst_full)
    pltpu.sync_copy(gid_hbm.at[sid], gid_v)

    _fill(nb_z, _NPT, 0.0)
    _fill(ones_v, _EPT, 1.0)
    pltpu.sync_copy(nb_z, deg_in_sh.at[pl.ds(nbase, _NPT)])
    pltpu.sync_copy(nb_z, deg_out_sh.at[pl.ds(nbase, _NPT)])
    pltpu.sync_copy(nb_z, acc_sh.at[pl.ds(nbase, _NPT)])

    @pl.when(sid == 0)
    def _():
        _fill(pool_v, _PB, 0.0)
        pltpu.sync_copy(pool_v, pool_sh)
        pltpu.sync_copy(pool_v, cnt_sh)

    plsc.subcore_barrier()

    d1 = pltpu.async_copy(ones_v, deg_in_sh.at[dst_full], dma_sem, add=True)
    d2 = pltpu.async_copy(ones_v, deg_out_sh.at[src_full], dma_sem, add=True)
    d1.wait()
    d2.wait()
    plsc.subcore_barrier()

    pltpu.sync_copy(deg_in_sh.at[pl.ds(nbase, _NPT)], nb_a)
    pltpu.sync_copy(deg_out_sh.at[pl.ds(nbase, _NPT)], nb_b)

    def norm_blk(j, _):
        di = nb_a[pl.ds(j * 16, 16)]
        do = nb_b[pl.ds(j * 16, 16)]
        ns = jnp.where(do > 0.0, _rsqrt16(jnp.maximum(do, 1e-12)), 0.0)
        nd = jnp.where(di > 0.0, _rsqrt16(jnp.maximum(di, 1e-12)), 0.0)
        nb_a[pl.ds(j * 16, 16)] = di * ns
        nb_b[pl.ds(j * 16, 16)] = ns
        nb_c[pl.ds(j * 16, 16)] = nd
        return 0

    lax.fori_loop(0, _NPT // 16, norm_blk, 0)
    pltpu.sync_copy(nb_a, x_sh.at[pl.ds(nbase, _NPT)])
    pltpu.sync_copy(nb_b, ns_sh.at[pl.ds(nbase, _NPT)])
    pltpu.sync_copy(nb_c, nd_sh.at[pl.ds(nbase, _NPT)])
    plsc.subcore_barrier()

    def round_gs():
        pltpu.sync_copy(x_sh.at[src_full], ones_v)
        pltpu.sync_copy(ones_v, acc_sh.at[dst_full], add=True)

    round_gs()
    plsc.subcore_barrier()

    pltpu.sync_copy(acc_sh.at[pl.ds(nbase, _NPT)], nb_a)

    def x2_blk(j, _):
        t1 = nb_a[pl.ds(j * 16, 16)]
        ns = nb_b[pl.ds(j * 16, 16)]
        nd = nb_c[pl.ds(j * 16, 16)]
        nb_a[pl.ds(j * 16, 16)] = t1 * nd * ns
        return 0

    lax.fori_loop(0, _NPT // 16, x2_blk, 0)
    pltpu.sync_copy(nb_a, x_sh.at[pl.ds(nbase, _NPT)])
    pltpu.sync_copy(nb_z, acc_sh.at[pl.ds(nbase, _NPT)])
    plsc.subcore_barrier()

    round_gs()
    plsc.subcore_barrier()

    pltpu.sync_copy(acc_sh.at[pl.ds(nbase, _NPT)], nb_a)

    def u_blk(j, _):
        t2 = nb_a[pl.ds(j * 16, 16)]
        nd = nb_c[pl.ds(j * 16, 16)]
        nb_a[pl.ds(j * 16, 16)] = t2 * nd
        return 0

    lax.fori_loop(0, _NPT // 16, u_blk, 0)
    _fill(nb_b, _NPT, 1.0)
    pltpu.sync_copy(nb_a, pool_sh.at[gid_v], add=True)
    pltpu.sync_copy(nb_b, cnt_sh.at[gid_v], add=True)
    plsc.subcore_barrier()

    @pl.when((sid == 0) & (cid == 0))
    def _():
        pltpu.sync_copy(pool_sh, pool_v)
        pltpu.sync_copy(pool_v, pool_out)
        pltpu.sync_copy(cnt_sh, cnt_v)
        pltpu.sync_copy(cnt_v, cnt_out)


_sc_graph = functools.partial(
    pl.kernel,
    out_type=[
        jax.ShapeDtypeStruct((_PB,), jnp.float32),
        jax.ShapeDtypeStruct((_PB,), jnp.float32),
    ],
    mesh=plsc.VectorSubcoreMesh(core_axis_name="c", subcore_axis_name="s"),
    compiler_params=pltpu.CompilerParams(needs_layout_passes=False),
    scratch_types=[
        pltpu.VMEM((_EPT,), jnp.int32),
        pltpu.VMEM((_EPT,), jnp.int32),
        pltpu.VMEM((_NPT,), jnp.int32),
        pltpu.VMEM((_NPT,), jnp.float32),
        pltpu.VMEM((_NPT,), jnp.float32),
        pltpu.VMEM((_NPT,), jnp.float32),
        pltpu.VMEM((_NPT,), jnp.float32),
        pltpu.VMEM((_EPT,), jnp.float32),
        pltpu.VMEM((_PB,), jnp.float32),
        pltpu.VMEM((_PB,), jnp.float32),
        pltpu.SemaphoreType.DMA,
        pltpu.VMEM_SHARED((_NPAD,), jnp.float32),
        pltpu.VMEM_SHARED((_NPAD,), jnp.float32),
        pltpu.VMEM_SHARED((_NPAD,), jnp.float32),
        pltpu.VMEM_SHARED((_NPAD,), jnp.float32),
        pltpu.VMEM_SHARED((_NPAD,), jnp.float32),
        pltpu.VMEM_SHARED((_NPAD,), jnp.float32),
        pltpu.VMEM_SHARED((_PB,), jnp.float32),
        pltpu.VMEM_SHARED((_PB,), jnp.float32),
    ],
)(_sc_graph_body)


def _tc_tail_body(pool_ref, cnt_ref, w1_ref, w2_ref, wfc_ref, bfc_ref, o_ref):
    r1 = jnp.maximum(w1_ref[...], 0.0)
    v = jnp.dot(r1, w2_ref[...], preferred_element_type=jnp.float32)
    r2 = jnp.maximum(v, 0.0)
    q = jnp.dot(r2, wfc_ref[...], preferred_element_type=jnp.float32)
    mean = pool_ref[...] / jnp.maximum(cnt_ref[...], 1.0)
    o_ref[...] = mean * q + bfc_ref[...]


_tc_tail = pl.pallas_call(
    _tc_tail_body,
    out_shape=jax.ShapeDtypeStruct((_G, _C), jnp.float32),
)


@jax.jit
def kernel(edge_index, graph_ids, W1, b1, W2, b2, Wfc, bfc):
    del b1, b2
    gid2 = jnp.concatenate(
        [graph_ids.astype(jnp.int32),
         jnp.full((_NPAD - _N,), _G, jnp.int32)]).reshape(_NTILES, _NPT)

    ei = edge_index.astype(jnp.int32)
    pool, cnt = _sc_graph(ei[0].reshape(_NTILES, _EPT),
                          ei[1].reshape(_NTILES, _EPT), gid2)
    return _tc_tail(pool[:_G].reshape(_G, 1), cnt[:_G].reshape(_G, 1),
                    W1, W2, Wfc, bfc.reshape(1, _C))

# --- scband reference (transcript-rebuilt; emitter-appended) ---
"""Pipeline reference for scband-classifier-14714557956356 (READ-ONLY COPY).

The authoritative reference and input builder live on the scoring server;
editing this copy changes nothing except your own understanding.
"""

import jax, jax.numpy as jnp
import numpy as np

N = 10000
E = 320000
H = 128
C = 10
G = 128


def setup_inputs(seed: int = 0) -> dict:
    key = jax.random.key(seed)
    k1, k2, k3, k4, k5, k6, k7, k8 = jax.random.split(key, 8)
    edge_index = jax.random.randint(k1, (2, E), 0, N)
    graph_ids = jnp.sort(jax.random.randint(k2, (N,), 0, G))
    W1 = jax.random.normal(k3, (1, H), dtype=jnp.float32) * 0.1
    b1 = jnp.zeros((H,), dtype=jnp.float32)
    W2 = jax.random.normal(k4, (H, H), dtype=jnp.float32) * 0.05
    b2 = jnp.zeros((H,), dtype=jnp.float32)
    Wfc = jax.random.normal(k5, (H, C), dtype=jnp.float32) * 0.05
    bfc = jnp.zeros((C,), dtype=jnp.float32)
    return {"edge_index": edge_index, "graph_ids": graph_ids,
            "W1": W1, "b1": b1, "W2": W2, "b2": b2, "Wfc": Wfc, "bfc": bfc}


def reference(edge_index, graph_ids, W1, b1, W2, b2, Wfc, bfc):
    src = edge_index[0]
    dst = edge_index[1]
    ones_e = jnp.ones((E,), dtype=jnp.float32)
    # degrees (dgl: in_degrees counts incoming edges at dst)
    deg_in = jax.ops.segment_sum(ones_e, dst, num_segments=N)
    deg_out = jax.ops.segment_sum(ones_e, src, num_segments=N)
    norm_src = jnp.where(deg_out > 0, jax.lax.rsqrt(jnp.maximum(deg_out, 1e-12)), 0.0).reshape(-1, 1)
    norm_dst = jnp.where(deg_in > 0, jax.lax.rsqrt(jnp.maximum(deg_in, 1e-12)), 0.0).reshape(-1, 1)

    def graph_conv(h, W, b):
        # dgl GraphConv with norm='both': D^{-1/2} A^T D^{-1/2} X W + b
        h_src = h * norm_src
        msg = jnp.take(h_src, src, axis=0)
        agg = jax.ops.segment_sum(msg, dst, num_segments=N)
        agg = agg * norm_dst
        return agg @ W + b

    # initial node feature = in-degree as a scalar feature
    h = deg_in.reshape(-1, 1)
    h = jax.nn.relu(graph_conv(h, W1, b1))
    h = jax.nn.relu(graph_conv(h, W2, b2))
    # dgl.mean_nodes: per-graph mean pooling over the batched graph
    sums = jax.ops.segment_sum(h, graph_ids, num_segments=G)
    counts = jax.ops.segment_sum(jnp.ones((N,), dtype=jnp.float32), graph_ids, num_segments=G)
    hg = sums / jnp.maximum(counts, 1.0).reshape(-1, 1)
    return hg @ Wfc + bfc

if __name__ == "__main__":
    import jax
    _d = setup_inputs()
    print(jax.jit(kernel)(*tuple(_d.values())))

</pallas_src>

<mosaic_0001>
#map = affine_map<(d0, d1) -> (0, 0)>
#map1 = affine_map<(d0, d1) -> (0)>
module attributes {stable_mosaic.version = 14 : i64} {
  func.func @_sc_graph_body(%arg0: i32, %arg1: i32, %arg2: memref<16x20000xi32, #tpu.memory_space<hbm>>, %arg3: memref<16x20000xi32, #tpu.memory_space<hbm>>, %arg4: memref<16x640xi32, #tpu.memory_space<hbm>>, %arg5: memref<144xf32, #tpu.memory_space<hbm>>, %arg6: memref<144xf32, #tpu.memory_space<hbm>>, %arg7: memref<20000xi32, #tpu.memory_space<vmem>>, %arg8: memref<20000xi32, #tpu.memory_space<vmem>>, %arg9: memref<640xi32, #tpu.memory_space<vmem>>, %arg10: memref<640xf32, #tpu.memory_space<vmem>>, %arg11: memref<640xf32, #tpu.memory_space<vmem>>, %arg12: memref<640xf32, #tpu.memory_space<vmem>>, %arg13: memref<640xf32, #tpu.memory_space<vmem>>, %arg14: memref<20000xf32, #tpu.memory_space<vmem>>, %arg15: memref<144xf32, #tpu.memory_space<vmem>>, %arg16: memref<144xf32, #tpu.memory_space<vmem>>, %arg17: memref<!tpu.dma_semaphore, #tpu.memory_space<semaphore_mem>>, %arg18: memref<10240xf32, #tpu.memory_space<vmem_shared>>, %arg19: memref<10240xf32, #tpu.memory_space<vmem_shared>>, %arg20: memref<10240xf32, #tpu.memory_space<vmem_shared>>, %arg21: memref<10240xf32, #tpu.memory_space<vmem_shared>>, %arg22: memref<10240xf32, #tpu.memory_space<vmem_shared>>, %arg23: memref<10240xf32, #tpu.memory_space<vmem_shared>>, %arg24: memref<144xf32, #tpu.memory_space<vmem_shared>>, %arg25: memref<144xf32, #tpu.memory_space<vmem_shared>>) attributes {dimension_semantics = [#tpu.dimension_semantics<core_parallel>, #tpu.dimension_semantics<subcore_parallel>], iteration_bounds = array<i64: 2, 16>, scalar_prefetch = 0 : i64, scratch_operands = 19 : i64, tpu.core_type = #tpu.core_type<sc_vector_subcore>, window_params = [{transform_indices = #map}, {transform_indices = #map}, {transform_indices = #map}, {transform_indices = #map1}, {transform_indices = #map1}]} {
    %mul3A = arith.constant 640 : i32
    %mul3A_0 = arith.muli %arg1, %mul3A : i32
    "tpu.region"() ({
      %run_scoped3A = tpu.sem_alloc : memref<!tpu.dma_semaphore, #tpu.memory_space<semaphore_mem>>
      %dma_start3A_68 = arith.constant 0 : i32
      %dma_start3A_69 = tpu.memref_slice %arg2[%arg1, %dma_start3A_68] : memref<16x20000xi32, #tpu.memory_space<hbm>> -> memref<1x20000xi32, #tpu.memory_space<hbm>>
      %dma_start3A_70 = tpu.memref_squeeze %dma_start3A_69 : memref<1x20000xi32, #tpu.memory_space<hbm>> -> memref<20000xi32, #tpu.memory_space<hbm>>
      %dma_start3A_71 = arith.constant 0 : i32
      %dma_start3A_72 = tpu.memref_slice %arg2[%arg1, %dma_start3A_71] : memref<16x20000xi32, #tpu.memory_space<hbm>> -> memref<1x20000xi32, #tpu.memory_space<hbm>>
      %dma_start3A_73 = tpu.memref_squeeze %dma_start3A_72 : memref<1x20000xi32, #tpu.memory_space<hbm>> -> memref<20000xi32, #tpu.memory_space<hbm>>
      tpu.enqueue_dma source(%dma_start3A_73 : memref<20000xi32, #tpu.memory_space<hbm>>) target(%arg7 : memref<20000xi32, #tpu.memory_space<vmem>>) target_semaphore(%run_scoped3A : memref<!tpu.dma_semaphore, #tpu.memory_space<semaphore_mem>>)
      %dma_wait3A_74 = arith.constant 0 : i32
      %dma_wait3A_75 = tpu.memref_slice %arg2[%arg1, %dma_wait3A_74] : memref<16x20000xi32, #tpu.memory_space<hbm>> -> memref<1x20000xi32, #tpu.memory_space<hbm>>
      %dma_wait3A_76 = tpu.memref_squeeze %dma_wait3A_75 : memref<1x20000xi32, #tpu.memory_space<hbm>> -> memref<20000xi32, #tpu.memory_space<hbm>>
      %dma_wait3A_77 = arith.constant 0 : i32
      %dma_wait3A_78 = tpu.memref_slice %arg2[%arg1, %dma_wait3A_77] : memref<16x20000xi32, #tpu.memory_space<hbm>> -> memref<1x20000xi32, #tpu.memory_space<hbm>>
      %dma_wait3A_79 = tpu.memref_squeeze %dma_wait3A_78 : memref<1x20000xi32, #tpu.memory_space<hbm>> -> memref<20000xi32, #tpu.memory_space<hbm>>
      tpu.wait_dma2 semaphore(%run_scoped3A : memref<!tpu.dma_semaphore, #tpu.memory_space<semaphore_mem>>) src(%dma_wait3A_79 : memref<20000xi32, #tpu.memory_space<hbm>>) dst(%arg7 : memref<20000xi32, #tpu.memory_space<vmem>>)
      tpu.yield
    }) : () -> ()
    "tpu.region"() ({
      %run_scoped3A = tpu.sem_alloc : memref<!tpu.dma_semaphore, #tpu.memory_space<semaphore_mem>>
      %dma_start3A_68 = arith.constant 0 : i32
      %dma_start3A_69 = tpu.memref_slice %arg3[%arg1, %dma_start3A_68] : memref<16x20000xi32, #tpu.memory_space<hbm>> -> memref<1x20000xi32, #tpu.memory_space<hbm>>
      %dma_start3A_70 = tpu.memref_squeeze %dma_start3A_69 : memref<1x20000xi32, #tpu.memory_space<hbm>> -> memref<20000xi32, #tpu.memory_space<hbm>>
      %dma_start3A_71 = arith.constant 0 : i32
      %dma_start3A_72 = tpu.memref_slice %arg3[%arg1, %dma_start3A_71] : memref<16x20000xi32, #tpu.memory_space<hbm>> -> memref<1x20000xi32, #tpu.memory_space<hbm>>
      %dma_start3A_73 = tpu.memref_squeeze %dma_start3A_72 : memref<1x20000xi32, #tpu.memory_space<hbm>> -> memref<20000xi32, #tpu.memory_space<hbm>>
      tpu.enqueue_dma source(%dma_start3A_73 : memref<20000xi32, #tpu.memory_space<hbm>>) target(%arg8 : memref<20000xi32, #tpu.memory_space<vmem>>) target_semaphore(%run_scoped3A : memref<!tpu.dma_semaphore, #tpu.memory_space<semaphore_mem>>)
      %dma_wait3A_74 = arith.constant 0 : i32
      %dma_wait3A_75 = tpu.memref_slice %arg3[%arg1, %dma_wait3A_74] : memref<16x20000xi32, #tpu.memory_space<hbm>> -> memref<1x20000xi32, #tpu.memory_space<hbm>>
      %dma_wait3A_76 = tpu.memref_squeeze %dma_wait3A_75 : memref<1x20000xi32, #tpu.memory_space<hbm>> -> memref<20000xi32, #tpu.memory_space<hbm>>
      %dma_wait3A_77 = arith.constant 0 : i32
      %dma_wait3A_78 = tpu.memref_slice %arg3[%arg1, %dma_wait3A_77] : memref<16x20000xi32, #tpu.memory_space<hbm>> -> memref<1x20000xi32, #tpu.memory_space<hbm>>
      %dma_wait3A_79 = tpu.memref_squeeze %dma_wait3A_78 : memref<1x20000xi32, #tpu.memory_space<hbm>> -> memref<20000xi32, #tpu.memory_space<hbm>>
      tpu.wait_dma2 semaphore(%run_scoped3A : memref<!tpu.dma_semaphore, #tpu.memory_space<semaphore_mem>>) src(%dma_wait3A_79 : memref<20000xi32, #tpu.memory_space<hbm>>) dst(%arg8 : memref<20000xi32, #tpu.memory_space<vmem>>)
      tpu.yield
    }) : () -> ()
    "tpu.region"() ({
      %run_scoped3A = tpu.sem_alloc : memref<!tpu.dma_semaphore, #tpu.memory_space<semaphore_mem>>
      %dma_start3A_68 = arith.constant 0 : i32
      %dma_start3A_69 = tpu.memref_slice %arg4[%arg1, %dma_start3A_68] : memref<16x640xi32, #tpu.memory_space<hbm>> -> memref<1x640xi32, #tpu.memory_space<hbm>>
      %dma_start3A_70 = tpu.memref_squeeze %dma_start3A_69 : memref<1x640xi32, #tpu.memory_space<hbm>> -> memref<640xi32, #tpu.memory_space<hbm>>
      %dma_start3A_71 = arith.constant 0 : i32
      %dma_start3A_72 = tpu.memref_slice %arg4[%arg1, %dma_start3A_71] : memref<16x640xi32, #tpu.memory_space<hbm>> -> memref<1x640xi32, #tpu.memory_space<hbm>>
      %dma_start3A_73 = tpu.memref_squeeze %dma_start3A_72 : memref<1x640xi32, #tpu.memory_space<hbm>> -> memref<640xi32, #tpu.memory_space<hbm>>
      tpu.enqueue_dma source(%dma_start3A_73 : memref<640xi32, #tpu.memory_space<hbm>>) target(%arg9 : memref<640xi32, #tpu.memory_space<vmem>>) target_semaphore(%run_scoped3A : memref<!tpu.dma_semaphore, #tpu.memory_space<semaphore_mem>>)
      %dma_wait3A_74 = arith.constant 0 : i32
      %dma_wait3A_75 = tpu.memref_slice %arg4[%arg1, %dma_wait3A_74] : memref<16x640xi32, #tpu.memory_space<hbm>> -> memref<1x640xi32, #tpu.memory_space<hbm>>
      %dma_wait3A_76 = tpu.memref_squeeze %dma_wait3A_75 : memref<1x640xi32, #tpu.memory_space<hbm>> -> memref<640xi32, #tpu.memory_space<hbm>>
      %dma_wait3A_77 = arith.constant 0 : i32
      %dma_wait3A_78 = tpu.memref_slice %arg4[%arg1, %dma_wait3A_77] : memref<16x640xi32, #tpu.memory_space<hbm>> -> memref<1x640xi32, #tpu.memory_space<hbm>>
      %dma_wait3A_79 = tpu.memref_squeeze %dma_wait3A_78 : memref<1x640xi32, #tpu.memory_space<hbm>> -> memref<640xi32, #tpu.memory_space<hbm>>
      tpu.wait_dma2 semaphore(%run_scoped3A : memref<!tpu.dma_semaphore, #tpu.memory_space<semaphore_mem>>) src(%dma_wait3A_79 : memref<640xi32, #tpu.memory_space<hbm>>) dst(%arg9 : memref<640xi32, #tpu.memory_space<vmem>>)
      tpu.yield
    }) : () -> ()
    %broadcast_in_dim3A = arith.constant 0.000000e+00 : f32
    %broadcast_in_dim3A_1 = vector.broadcast %broadcast_in_dim3A : f32 to vector<16xf32>
    %scan3A = arith.constant 0 : i32
    %scan3A_2 = arith.constant 0 : i32
    %scan3A_3 = arith.constant 40 : i32
    %scan3A_4 = arith.addi %scan3A_2, %scan3A_3 : i32
    %scan3A_5 = arith.constant 1 : i32
    %scan3A_6 = scf.for %scan3A_68 = %scan3A_2 to %scan3A_4 step %scan3A_5 iter_args(%scan3A_69 = %scan3A) -> (i32)  : i32 {
      %mul3A_70 = arith.constant 16 : i32
      %mul3A_71 = arith.muli %scan3A_68, %mul3A_70 : i32
      %swap3A = arith.index_cast %mul3A_71 : i32 to index
      %swap3A_72 = tpu.vector_load %arg13[%swap3A] {strides = array<i32>} : memref<640xf32, #tpu.memory_space<vmem>>, vector<16xf32>,
      tpu.vector_store %arg13[%swap3A], %broadcast_in_dim3A_1 {strides = array<i32>} : memref<640xf32, #tpu.memory_space<vmem>>, vector<16xf32>,
      %scan3A_73 = arith.constant 0 : i32
      scf.yield %scan3A_73 : i32
    }
    %scan3A_7 = arith.constant 40 : i32
    %broadcast_in_dim3A_8 = arith.constant 1.000000e+00 : f32
    %broadcast_in_dim3A_9 = vector.broadcast %broadcast_in_dim3A_8 : f32 to vector<16xf32>
    %scan3A_10 = arith.constant 0 : i32
    %scan3A_11 = arith.constant 0 : i32
    %scan3A_12 = arith.constant 1250 : i32
    %scan3A_13 = arith.addi %scan3A_11, %scan3A_12 : i32
    %scan3A_14 = arith.constant 1 : i32
    %scan3A_15 = scf.for %scan3A_68 = %scan3A_11 to %scan3A_13 step %scan3A_14 iter_args(%scan3A_69 = %scan3A_10) -> (i32)  : i32 {
      %mul3A_70 = arith.constant 16 : i32
      %mul3A_71 = arith.muli %scan3A_68, %mul3A_70 : i32
      %swap3A = arith.index_cast %mul3A_71 : i32 to index
      %swap3A_72 = tpu.vector_load %arg14[%swap3A] {strides = array<i32>} : memref<20000xf32, #tpu.memory_space<vmem>>, vector<16xf32>,
      tpu.vector_store %arg14[%swap3A], %broadcast_in_dim3A_9 {strides = array<i32>} : memref<20000xf32, #tpu.memory_space<vmem>>, vector<16xf32>,
      %scan3A_73 = arith.constant 0 : i32
      scf.yield %scan3A_73 : i32
    }
    %scan3A_16 = arith.constant 1250 : i32
    "tpu.region"() ({
      %run_scoped3A = tpu.sem_alloc : memref<!tpu.dma_semaphore, #tpu.memory_space<semaphore_mem>>
      %dma_start3A_68 = tpu.memref_slice %arg18[%mul3A_0] : memref<10240xf32, #tpu.memory_space<vmem_shared>> -> memref<640xf32, #tpu.memory_space<vmem_shared>>
      %dma_start3A_69 = tpu.memref_slice %arg18[%mul3A_0] : memref<10240xf32, #tpu.memory_space<vmem_shared>> -> memref<640xf32, #tpu.memory_space<vmem_shared>>
      tpu.enqueue_dma source(%arg13 : memref<640xf32, #tpu.memory_space<vmem>>) target(%dma_start3A_69 : memref<640xf32, #tpu.memory_space<vmem_shared>>) target_semaphore(%run_scoped3A : memref<!tpu.dma_semaphore, #tpu.memory_space<semaphore_mem>>)
      %dma_wait3A_70 = tpu.memref_slice %arg18[%mul3A_0] : memref<10240xf32, #tpu.memory_space<vmem_shared>> -> memref<640xf32, #tpu.memory_space<vmem_shared>>
      %dma_wait3A_71 = tpu.memref_slice %arg18[%mul3A_0] : memref<10240xf32, #tpu.memory_space<vmem_shared>> -> memref<640xf32, #tpu.memory_space<vmem_shared>>
      tpu.wait_dma2 semaphore(%run_scoped3A : memref<!tpu.dma_semaphore, #tpu.memory_space<semaphore_mem>>) src(%arg13 : memref<640xf32, #tpu.memory_space<vmem>>) dst(%dma_wait3A_71 : memref<640xf32, #tpu.memory_space<vmem_shared>>)
      tpu.yield
    }) : () -> ()
    "tpu.region"() ({
      %run_scoped3A = tpu.sem_alloc : memref<!tpu.dma_semaphore, #tpu.memory_space<semaphore_mem>>
      %dma_start3A_68 = tpu.memref_slice %arg19[%mul3A_0] : memref<10240xf32, #tpu.memory_space<vmem_shared>> -> memref<640xf32, #tpu.memory_space<vmem_shared>>
      %dma_start3A_69 = tpu.memref_slice %arg19[%mul3A_0] : memref<10240xf32, #tpu.memory_space<vmem_shared>> -> memref<640xf32, #tpu.memory_space<vmem_shared>>
      tpu.enqueue_dma source(%arg13 : memref<640xf32, #tpu.memory_space<vmem>>) target(%dma_start3A_69 : memref<640xf32, #tpu.memory_space<vmem_shared>>) target_semaphore(%run_scoped3A : memref<!tpu.dma_semaphore, #tpu.memory_space<semaphore_mem>>)
      %dma_wait3A_70 = tpu.memref_slice %arg19[%mul3A_0] : memref<10240xf32, #tpu.memory_space<vmem_shared>> -> memref<640xf32, #tpu.memory_space<vmem_shared>>
      %dma_wait3A_71 = tpu.memref_slice %arg19[%mul3A_0] : memref<10240xf32, #tpu.memory_space<vmem_shared>> -> memref<640xf32, #tpu.memory_space<vmem_shared>>
      tpu.wait_dma2 semaphore(%run_scoped3A : memref<!tpu.dma_semaphore, #tpu.memory_space<semaphore_mem>>) src(%arg13 : memref<640xf32, #tpu.memory_space<vmem>>) dst(%dma_wait3A_71 : memref<640xf32, #tpu.memory_space<vmem_shared>>)
      tpu.yield
    }) : () -> ()
    "tpu.region"() ({
      %run_scoped3A = tpu.sem_alloc : memref<!tpu.dma_semaphore, #tpu.memory_space<semaphore_mem>>
      %dma_start3A_68 = tpu.memref_slice %arg23[%mul3A_0] : memref<10240xf32, #tpu.memory_space<vmem_shared>> -> memref<640xf32, #tpu.memory_space<vmem_shared>>
      %dma_start3A_69 = tpu.memref_slice %arg23[%mul3A_0] : memref<10240xf32, #tpu.memory_space<vmem_shared>> -> memref<640xf32, #tpu.memory_space<vmem_shared>>
      tpu.enqueue_dma source(%arg13 : memref<640xf32, #tpu.memory_space<vmem>>) target(%dma_start3A_69 : memref<640xf32, #tpu.memory_space<vmem_shared>>) target_semaphore(%run_scoped3A : memref<!tpu.dma_semaphore, #tpu.memory_space<semaphore_mem>>)
      %dma_wait3A_70 = tpu.memref_slice %arg23[%mul3A_0] : memref<10240xf32, #tpu.memory_space<vmem_shared>> -> memref<640xf32, #tpu.memory_space<vmem_shared>>
      %dma_wait3A_71 = tpu.memref_slice %arg23[%mul3A_0] : memref<10240xf32, #tpu.memory_space<vmem_shared>> -> memref<640xf32, #tpu.memory_space<vmem_shared>>
      tpu.wait_dma2 semaphore(%run_scoped3A : memref<!tpu.dma_semaphore, #tpu.memory_space<semaphore_mem>>) src(%arg13 : memref<640xf32, #tpu.memory_space<vmem>>) dst(%dma_wait3A_71 : memref<640xf32, #tpu.memory_space<vmem_shared>>)
      tpu.yield
    }) : () -> ()
    %eq3A = arith.constant 0 : i32
    %eq3A_17 = arith.cmpi eq, %arg1, %eq3A : i32
    %convert_element_type3A = arith.extui %eq3A_17 : i1 to i32
    %cond3A = arith.constant 0 : i32
    %cond3A_18 = arith.cmpi ne, %convert_element_type3A, %cond3A : i32
    scf.if %cond3A_18 {
      %broadcast_in_dim3A_68 = arith.constant 0.000000e+00 : f32
      %broadcast_in_dim3A_69 = vector.broadcast %broadcast_in_dim3A_68 : f32 to vector<16xf32>
      %scan3A_70 = arith.constant 0 : i32
      %scan3A_71 = arith.constant 0 : i32
      %scan3A_72 = arith.constant 9 : i32
      %scan3A_73 = arith.addi %scan3A_71, %scan3A_72 : i32
      %scan3A_74 = arith.constant 1 : i32
      %scan3A_75 = scf.for %scan3A_77 = %scan3A_71 to %scan3A_73 step %scan3A_74 iter_args(%scan3A_78 = %scan3A_70) -> (i32)  : i32 {
        %mul3A_79 = arith.constant 16 : i32
        %mul3A_80 = arith.muli %scan3A_77, %mul3A_79 : i32
        %swap3A = arith.index_cast %mul3A_80 : i32 to index
        %swap3A_81 = tpu.vector_load %arg15[%swap3A] {strides = array<i32>} : memref<144xf32, #tpu.memory_space<vmem>>, vector<16xf32>,
        tpu.vector_store %arg15[%swap3A], %broadcast_in_dim3A_69 {strides = array<i32>} : memref<144xf32, #tpu.memory_space<vmem>>, vector<16xf32>,
        %scan3A_82 = arith.constant 0 : i32
        scf.yield %scan3A_82 : i32
      }
      %scan3A_76 = arith.constant 9 : i32
      "tpu.region"() ({
        %run_scoped3A = tpu.sem_alloc : memref<!tpu.dma_semaphore, #tpu.memory_space<semaphore_mem>>
        tpu.enqueue_dma source(%arg15 : memref<144xf32, #tpu.memory_space<vmem>>) target(%arg24 : memref<144xf32, #tpu.memory_space<vmem_shared>>) target_semaphore(%run_scoped3A : memref<!tpu.dma_semaphore, #tpu.memory_space<semaphore_mem>>)
        tpu.wait_dma2 semaphore(%run_scoped3A : memref<!tpu.dma_semaphore, #tpu.memory_space<semaphore_mem>>) src(%arg15 : memref<144xf32, #tpu.memory_space<vmem>>) dst(%arg24 : memref<144xf32, #tpu.memory_space<vmem_shared>>)
        tpu.yield
      }) : () -> ()
      "tpu.region"() ({
        %run_scoped3A = tpu.sem_alloc : memref<!tpu.dma_semaphore, #tpu.memory_space<semaphore_mem>>
        tpu.enqueue_dma source(%arg15 : memref<144xf32, #tpu.memory_space<vmem>>) target(%arg25 : memref<144xf32, #tpu.memory_space<vmem_shared>>) target_semaphore(%run_scoped3A : memref<!tpu.dma_semaphore, #tpu.memory_space<semaphore_mem>>)
        tpu.wait_dma2 semaphore(%run_scoped3A : memref<!tpu.dma_semaphore, #tpu.memory_space<semaphore_mem>>) src(%arg15 : memref<144xf32, #tpu.memory_space<vmem>>) dst(%arg25 : memref<144xf32, #tpu.memory_space<vmem_shared>>)
        tpu.yield
      }) : () -> ()
    } else {
    }
    %barrier3A = arith.constant 0 : index
    tpu.barrier barrier_id(%barrier3A)
    %dma_start3A = arith.constant 0 : i32
    %dma_start3A_19 = tpu.memref_slice %arg18[%dma_start3A] : memref<10240xf32, #tpu.memory_space<vmem_shared>> -> memref<10240xf32, #tpu.memory_space<vmem_shared>>
    tpu.enqueue_indirect_dma source(%arg14 : memref<20000xf32, #tpu.memory_space<vmem>>) target(%dma_start3A_19 : memref<10240xf32, #tpu.memory_space<vmem_shared>>) offsets(%arg8 : memref<20000xi32, #tpu.memory_space<vmem>>) semaphore(%arg17 : memref<!tpu.dma_semaphore, #tpu.memory_space<semaphore_mem>>) {add = true}
    %dma_start3A_20 = arith.constant 0 : i32
    %dma_start3A_21 = tpu.memref_slice %arg19[%dma_start3A_20] : memref<10240xf32, #tpu.memory_space<vmem_shared>> -> memref<10240xf32, #tpu.memory_space<vmem_shared>>
    tpu.enqueue_indirect_dma source(%arg14 : memref<20000xf32, #tpu.memory_space<vmem>>) target(%dma_start3A_21 : memref<10240xf32, #tpu.memory_space<vmem_shared>>) offsets(%arg7 : memref<20000xi32, #tpu.memory_space<vmem>>) semaphore(%arg17 : memref<!tpu.dma_semaphore, #tpu.memory_space<semaphore_mem>>) {add = true}
    %dma_wait3A = arith.constant 0 : i32
    %dma_wait3A_22 = tpu.memref_slice %arg18[%dma_wait3A] : memref<10240xf32, #tpu.memory_space<vmem_shared>> -> memref<10240xf32, #tpu.memory_space<vmem_shared>>
    tpu.wait_indirect_dma semaphore(%arg17 : memref<!tpu.dma_semaphore, #tpu.memory_space<semaphore_mem>>) src(%arg14 : memref<20000xf32, #tpu.memory_space<vmem>>) dst(%dma_wait3A_22 : memref<10240xf32, #tpu.memory_space<vmem_shared>>)
    %dma_wait3A_23 = arith.constant 0 : i32
    %dma_wait3A_24 = tpu.memref_slice %arg19[%dma_wait3A_23] : memref<10240xf32, #tpu.memory_space<vmem_shared>> -> memref<10240xf32, #tpu.memory_space<vmem_shared>>
    tpu.wait_indirect_dma semaphore(%arg17 : memref<!tpu.dma_semaphore, #tpu.memory_space<semaphore_mem>>) src(%arg14 : memref<20000xf32, #tpu.memory_space<vmem>>) dst(%dma_wait3A_24 : memref<10240xf32, #tpu.memory_space<vmem_shared>>)
    %barrier3A_25 = arith.constant 0 : index
    tpu.barrier barrier_id(%barrier3A_25)
    "tpu.region"() ({
      %run_scoped3A = tpu.sem_alloc : memref<!tpu.dma_semaphore, #tpu.memory_space<semaphore_mem>>
      %dma_start3A_68 = tpu.memref_slice %arg18[%mul3A_0] : memref<10240xf32, #tpu.memory_space<vmem_shared>> -> memref<640xf32, #tpu.memory_space<vmem_shared>>
      %dma_start3A_69 = tpu.memref_slice %arg18[%mul3A_0] : memref<10240xf32, #tpu.memory_space<vmem_shared>> -> memref<640xf32, #tpu.memory_space<vmem_shared>>
      tpu.enqueue_dma source(%dma_start3A_69 : memref<640xf32, #tpu.memory_space<vmem_shared>>) target(%arg10 : memref<640xf32, #tpu.memory_space<vmem>>) target_semaphore(%run_scoped3A : memref<!tpu.dma_semaphore, #tpu.memory_space<semaphore_mem>>)
      %dma_wait3A_70 = tpu.memref_slice %arg18[%mul3A_0] : memref<10240xf32, #tpu.memory_space<vmem_shared>> -> memref<640xf32, #tpu.memory_space<vmem_shared>>
      %dma_wait3A_71 = tpu.memref_slice %arg18[%mul3A_0] : memref<10240xf32, #tpu.memory_space<vmem_shared>> -> memref<640xf32, #tpu.memory_space<vmem_shared>>
      tpu.wait_dma2 semaphore(%run_scoped3A : memref<!tpu.dma_semaphore, #tpu.memory_space<semaphore_mem>>) src(%dma_wait3A_71 : memref<640xf32, #tpu.memory_space<vmem_shared>>) dst(%arg10 : memref<640xf32, #tpu.memory_space<vmem>>)
      tpu.yield
    }) : () -> ()
    "tpu.region"() ({
      %run_scoped3A = tpu.sem_alloc : memref<!tpu.dma_semaphore, #tpu.memory_space<semaphore_mem>>
      %dma_start3A_68 = tpu.memref_slice %arg19[%mul3A_0] : memref<10240xf32, #tpu.memory_space<vmem_shared>> -> memref<640xf32, #tpu.memory_space<vmem_shared>>
      %dma_start3A_69 = tpu.memref_slice %arg19[%mul3A_0] : memref<10240xf32, #tpu.memory_space<vmem_shared>> -> memref<640xf32, #tpu.memory_space<vmem_shared>>
      tpu.enqueue_dma source(%dma_start3A_69 : memref<640xf32, #tpu.memory_space<vmem_shared>>) target(%arg11 : memref<640xf32, #tpu.memory_space<vmem>>) target_semaphore(%run_scoped3A : memref<!tpu.dma_semaphore, #tpu.memory_space<semaphore_mem>>)
      %dma_wait3A_70 = tpu.memref_slice %arg19[%mul3A_0] : memref<10240xf32, #tpu.memory_space<vmem_shared>> -> memref<640xf32, #tpu.memory_space<vmem_shared>>
      %dma_wait3A_71 = tpu.memref_slice %arg19[%mul3A_0] : memref<10240xf32, #tpu.memory_space<vmem_shared>> -> memref<640xf32, #tpu.memory_space<vmem_shared>>
      tpu.wait_dma2 semaphore(%run_scoped3A : memref<!tpu.dma_semaphore, #tpu.memory_space<semaphore_mem>>) src(%dma_wait3A_71 : memref<640xf32, #tpu.memory_space<vmem_shared>>) dst(%arg11 : memref<640xf32, #tpu.memory_space<vmem>>)
      tpu.yield
    }) : () -> ()
    %scan3A_26 = arith.constant 0 : i32
    %scan3A_27 = arith.constant 0 : i32
    %scan3A_28 = arith.constant 40 : i32
    %scan3A_29 = arith.addi %scan3A_27, %scan3A_28 : i32
    %scan3A_30 = arith.constant 1 : i32
    %scan3A_31 = scf.for %scan3A_68 = %scan3A_27 to %scan3A_29 step %scan3A_30 iter_args(%scan3A_69 = %scan3A_26) -> (i32)  : i32 {
      %mul3A_70 = arith.constant 16 : i32
      %mul3A_71 = arith.muli %scan3A_68, %mul3A_70 : i32
      %get3A = arith.index_cast %mul3A_71 : i32 to index
      %get3A_72 = tpu.vector_load %arg10[%get3A] {strides = array<i32>} : memref<640xf32, #tpu.memory_space<vmem>>, vector<16xf32>,
      %mul3A_73 = arith.constant 16 : i32
      %mul3A_74 = arith.muli %scan3A_68, %mul3A_73 : i32
      %get3A_75 = arith.index_cast %mul3A_74 : i32 to index
      %get3A_76 = tpu.vector_load %arg11[%get3A_75] {strides = array<i32>} : memref<640xf32, #tpu.memory_space<vmem>>, vector<16xf32>,
      %gt3A = arith.constant 0.000000e+00 : f32
      %gt3A_77 = vector.broadcast %gt3A : f32 to vector<16xf32>
      %gt3A_78 = arith.cmpf ogt, %get3A_76, %gt3A_77 : vector<16xf32>
      %max3A = arith.constant 9.99999996E-13 : f32
      %max3A_79 = vector.broadcast %max3A : f32 to vector<16xf32>
      %max3A_80 = arith.maximumf %get3A_76, %max3A_79 : vector<16xf32>
      %bitcast_convert_type3A = tpu.bitcast %max3A_80 : vector<16xf32> -> vector<16xi32>
      %shift_right_arithmetic3A = arith.constant 1 : i32
      %shift_right_arithmetic3A_81 = vector.broadcast %shift_right_arithmetic3A : i32 to vector<16xi32>
      %shift_right_arithmetic3A_82 = arith.shrsi %bitcast_convert_type3A, %shift_right_arithmetic3A_81 : vector<16xi32>
      %sub3A = arith.constant 1597463007 : i32
      %sub3A_83 = vector.broadcast %sub3A : i32 to vector<16xi32>
      %sub3A_84 = arith.subi %sub3A_83, %shift_right_arithmetic3A_82 : vector<16xi32>
      %bitcast_convert_type3A_85 = tpu.bitcast %sub3A_84 : vector<16xi32> -> vector<16xf32>
      %mul3A_86 = arith.constant 5.000000e-01 : f32
      %mul3A_87 = vector.broadcast %mul3A_86 : f32 to vector<16xf32>
      %mul3A_88 = arith.mulf %mul3A_87, %max3A_80 : vector<16xf32>
      %mul3A_89 = arith.mulf %mul3A_88, %bitcast_convert_type3A_85 : vector<16xf32>
      %mul3A_90 = arith.mulf %mul3A_89, %bitcast_convert_type3A_85 : vector<16xf32>
      %sub3A_91 = arith.constant 1.500000e+00 : f32
      %sub3A_92 = vector.broadcast %sub3A_91 : f32 to vector<16xf32>
      %sub3A_93 = arith.subf %sub3A_92, %mul3A_90 : vector<16xf32>
      %mul3A_94 = arith.mulf %bitcast_convert_type3A_85, %sub3A_93 : vector<16xf32>
      %mul3A_95 = arith.constant 5.000000e-01 : f32
      %mul3A_96 = vector.broadcast %mul3A_95 : f32 to vector<16xf32>
      %mul3A_97 = arith.mulf %mul3A_96, %max3A_80 : vector<16xf32>
      %mul3A_98 = arith.mulf %mul3A_97, %mul3A_94 : vector<16xf32>
      %mul3A_99 = arith.mulf %mul3A_98, %mul3A_94 : vector<16xf32>
      %sub3A_100 = arith.constant 1.500000e+00 : f32
      %sub3A_101 = vector.broadcast %sub3A_100 : f32 to vector<16xf32>
      %sub3A_102 = arith.subf %sub3A_101, %mul3A_99 : vector<16xf32>
      %mul3A_103 = arith.mulf %mul3A_94, %sub3A_102 : vector<16xf32>
      %mul3A_104 = arith.constant 5.000000e-01 : f32
      %mul3A_105 = vector.broadcast %mul3A_104 : f32 to vector<16xf32>
      %mul3A_106 = arith.mulf %mul3A_105, %max3A_80 : vector<16xf32>
      %mul3A_107 = arith.mulf %mul3A_106, %mul3A_103 : vector<16xf32>
      %mul3A_108 = arith.mulf %mul3A_107, %mul3A_103 : vector<16xf32>
      %sub3A_109 = arith.constant 1.500000e+00 : f32
      %sub3A_110 = vector.broadcast %sub3A_109 : f32 to vector<16xf32>
      %sub3A_111 = arith.subf %sub3A_110, %mul3A_108 : vector<16xf32>
      %mul3A_112 = arith.mulf %mul3A_103, %sub3A_111 : vector<16xf32>
      %jit3A = arith.constant 0.000000e+00 : f32
      %broadcast_in_dim3A_113 = vector.broadcast %jit3A : f32 to vector<16xf32>
      %select_n3A = arith.select %gt3A_78, %mul3A_112, %broadcast_in_dim3A_113 : vector<16xi1>, vector<16xf32>
      %gt3A_114 = arith.constant 0.000000e+00 : f32
      %gt3A_115 = vector.broadcast %gt3A_114 : f32 to vector<16xf32>
      %gt3A_116 = arith.cmpf ogt, %get3A_72, %gt3A_115 : vector<16xf32>
      %max3A_117 = arith.constant 9.99999996E-13 : f32
      %max3A_118 = vector.broadcast %max3A_117 : f32 to vector<16xf32>
      %max3A_119 = arith.maximumf %get3A_72, %max3A_118 : vector<16xf32>
      %bitcast_convert_type3A_120 = tpu.bitcast %max3A_119 : vector<16xf32> -> vector<16xi32>
      %shift_right_arithmetic3A_121 = arith.constant 1 : i32
      %shift_right_arithmetic3A_122 = vector.broadcast %shift_right_arithmetic3A_121 : i32 to vector<16xi32>
      %shift_right_arithmetic3A_123 = arith.shrsi %bitcast_convert_type3A_120, %shift_right_arithmetic3A_122 : vector<16xi32>
      %sub3A_124 = arith.constant 1597463007 : i32
      %sub3A_125 = vector.broadcast %sub3A_124 : i32 to vector<16xi32>
      %sub3A_126 = arith.subi %sub3A_125, %shift_right_arithmetic3A_123 : vector<16xi32>
      %bitcast_convert_type3A_127 = tpu.bitcast %sub3A_126 : vector<16xi32> -> vector<16xf32>
      %mul3A_128 = arith.constant 5.000000e-01 : f32
      %mul3A_129 = vector.broadcast %mul3A_128 : f32 to vector<16xf32>
      %mul3A_130 = arith.mulf %mul3A_129, %max3A_119 : vector<16xf32>
      %mul3A_131 = arith.mulf %mul3A_130, %bitcast_convert_type3A_127 : vector<16xf32>
      %mul3A_132 = arith.mulf %mul3A_131, %bitcast_convert_type3A_127 : vector<16xf32>
      %sub3A_133 = arith.constant 1.500000e+00 : f32
      %sub3A_134 = vector.broadcast %sub3A_133 : f32 to vector<16xf32>
      %sub3A_135 = arith.subf %sub3A_134, %mul3A_132 : vector<16xf32>
      %mul3A_136 = arith.mulf %bitcast_convert_type3A_127, %sub3A_135 : vector<16xf32>
      %mul3A_137 = arith.constant 5.000000e-01 : f32
      %mul3A_138 = vector.broadcast %mul3A_137 : f32 to vector<16xf32>
      %mul3A_139 = arith.mulf %mul3A_138, %max3A_119 : vector<16xf32>
      %mul3A_140 = arith.mulf %mul3A_139, %mul3A_136 : vector<16xf32>
      %mul3A_141 = arith.mulf %mul3A_140, %mul3A_136 : vector<16xf32>
      %sub3A_142 = arith.constant 1.500000e+00 : f32
      %sub3A_143 = vector.broadcast %sub3A_142 : f32 to vector<16xf32>
      %sub3A_144 = arith.subf %sub3A_143, %mul3A_141 : vector<16xf32>
      %mul3A_145 = arith.mulf %mul3A_136, %sub3A_144 : vector<16xf32>
      %mul3A_146 = arith.constant 5.000000e-01 : f32
      %mul3A_147 = vector.broadcast %mul3A_146 : f32 to vector<16xf32>
      %mul3A_148 = arith.mulf %mul3A_147, %max3A_119 : vector<16xf32>
      %mul3A_149 = arith.mulf %mul3A_148, %mul3A_145 : vector<16xf32>
      %mul3A_150 = arith.mulf %mul3A_149, %mul3A_145 : vector<16xf32>
      %sub3A_151 = arith.constant 1.500000e+00 : f32
      %sub3A_152 = vector.broadcast %sub3A_151 : f32 to vector<16xf32>
      %sub3A_153 = arith.subf %sub3A_152, %mul3A_150 : vector<16xf32>
      %mul3A_154 = arith.mulf %mul3A_145, %sub3A_153 : vector<16xf32>
      %jit3A_155 = arith.constant 0.000000e+00 : f32
      %broadcast_in_dim3A_156 = vector.broadcast %jit3A_155 : f32 to vector<16xf32>
      %select_n3A_157 = arith.select %gt3A_116, %mul3A_154, %broadcast_in_dim3A_156 : vector<16xi1>, vector<16xf32>
      %mul3A_158 = arith.mulf %get3A_72, %select_n3A : vector<16xf32>
      %mul3A_159 = arith.constant 16 : i32
      %mul3A_160 = arith.muli %scan3A_68, %mul3A_159 : i32
      %swap3A = arith.index_cast %mul3A_160 : i32 to index
      %swap3A_161 = tpu.vector_load %arg10[%swap3A] {strides = array<i32>} : memref<640xf32, #tpu.memory_space<vmem>>, vector<16xf32>,
      tpu.vector_store %arg10[%swap3A], %mul3A_158 {strides = array<i32>} : memref<640xf32, #tpu.memory_space<vmem>>, vector<16xf32>,
      %mul3A_162 = arith.constant 16 : i32
      %mul3A_163 = arith.muli %scan3A_68, %mul3A_162 : i32
      %swap3A_164 = arith.index_cast %mul3A_163 : i32 to index
      %swap3A_165 = tpu.vector_load %arg11[%swap3A_164] {strides = array<i32>} : memref<640xf32, #tpu.memory_space<vmem>>, vector<16xf32>,
      tpu.vector_store %arg11[%swap3A_164], %select_n3A {strides = array<i32>} : memref<640xf32, #tpu.memory_space<vmem>>, vector<16xf32>,
      %mul3A_166 = arith.constant 16 : i32
      %mul3A_167 = arith.muli %scan3A_68, %mul3A_166 : i32
      %swap3A_168 = arith.index_cast %mul3A_167 : i32 to index
      %swap3A_169 = tpu.vector_load %arg12[%swap3A_168] {strides = array<i32>} : memref<640xf32, #tpu.memory_space<vmem>>, vector<16xf32>,
      tpu.vector_store %arg12[%swap3A_168], %select_n3A_157 {strides = array<i32>} : memref<640xf32, #tpu.memory_space<vmem>>, vector<16xf32>,
      %scan3A_170 = arith.constant 0 : i32
      scf.yield %scan3A_170 : i32
    }
    %scan3A_32 = arith.constant 40 : i32
    "tpu.region"() ({
      %run_scoped3A = tpu.sem_alloc : memref<!tpu.dma_semaphore, #tpu.memory_space<semaphore_mem>>
      %dma_start3A_68 = tpu.memref_slice %arg22[%mul3A_0] : memref<10240xf32, #tpu.memory_space<vmem_shared>> -> memref<640xf32, #tpu.memory_space<vmem_shared>>
      %dma_start3A_69 = tpu.memref_slice %arg22[%mul3A_0] : memref<10240xf32, #tpu.memory_space<vmem_shared>> -> memref<640xf32, #tpu.memory_space<vmem_shared>>
      tpu.enqueue_dma source(%arg10 : memref<640xf32, #tpu.memory_space<vmem>>) target(%dma_start3A_69 : memref<640xf32, #tpu.memory_space<vmem_shared>>) target_semaphore(%run_scoped3A : memref<!tpu.dma_semaphore, #tpu.memory_space<semaphore_mem>>)
      %dma_wait3A_70 = tpu.memref_slice %arg22[%mul3A_0] : memref<10240xf32, #tpu.memory_space<vmem_shared>> -> memref<640xf32, #tpu.memory_space<vmem_shared>>
      %dma_wait3A_71 = tpu.memref_slice %arg22[%mul3A_0] : memref<10240xf32, #tpu.memory_space<vmem_shared>> -> memref<640xf32, #tpu.memory_space<vmem_shared>>
      tpu.wait_dma2 semaphore(%run_scoped3A : memref<!tpu.dma_semaphore, #tpu.memory_space<semaphore_mem>>) src(%arg10 : memref<640xf32, #tpu.memory_space<vmem>>) dst(%dma_wait3A_71 : memref<640xf32, #tpu.memory_space<vmem_shared>>)
      tpu.yield
    }) : () -> ()
    "tpu.region"() ({
      %run_scoped3A = tpu.sem_alloc : memref<!tpu.dma_semaphore, #tpu.memory_space<semaphore_mem>>
      %dma_start3A_68 = tpu.memref_slice %arg20[%mul3A_0] : memref<10240xf32, #tpu.memory_space<vmem_shared>> -> memref<640xf32, #tpu.memory_space<vmem_shared>>
      %dma_start3A_69 = tpu.memref_slice %arg20[%mul3A_0] : memref<10240xf32, #tpu.memory_space<vmem_shared>> -> memref<640xf32, #tpu.memory_space<vmem_shared>>
      tpu.enqueue_dma source(%arg11 : memref<640xf32, #tpu.memory_space<vmem>>) target(%dma_start3A_69 : memref<640xf32, #tpu.memory_space<vmem_shared>>) target_semaphore(%run_scoped3A : memref<!tpu.dma_semaphore, #tpu.memory_space<semaphore_mem>>)
      %dma_wait3A_70 = tpu.memref_slice %arg20[%mul3A_0] : memref<10240xf32, #tpu.memory_space<vmem_shared>> -> memref<640xf32, #tpu.memory_space<vmem_shared>>
      %dma_wait3A_71 = tpu.memref_slice %arg20[%mul3A_0] : memref<10240xf32, #tpu.memory_space<vmem_shared>> -> memref<640xf32, #tpu.memory_space<vmem_shared>>
      tpu.wait_dma2 semaphore(%run_scoped3A : memref<!tpu.dma_semaphore, #tpu.memory_space<semaphore_mem>>) src(%arg11 : memref<640xf32, #tpu.memory_space<vmem>>) dst(%dma_wait3A_71 : memref<640xf32, #tpu.memory_space<vmem_shared>>)
      tpu.yield
    }) : () -> ()
    "tpu.region"() ({
      %run_scoped3A = tpu.sem_alloc : memref<!tpu.dma_semaphore, #tpu.memory_space<semaphore_mem>>
      %dma_start3A_68 = tpu.memref_slice %arg21[%mul3A_0] : memref<10240xf32, #tpu.memory_space<vmem_shared>> -> memref<640xf32, #tpu.memory_space<vmem_shared>>
      %dma_start3A_69 = tpu.memref_slice %arg21[%mul3A_0] : memref<10240xf32, #tpu.memory_space<vmem_shared>> -> memref<640xf32, #tpu.memory_space<vmem_shared>>
      tpu.enqueue_dma source(%arg12 : memref<640xf32, #tpu.memory_space<vmem>>) target(%dma_start3A_69 : memref<640xf32, #tpu.memory_space<vmem_shared>>) target_semaphore(%run_scoped3A : memref<!tpu.dma_semaphore, #tpu.memory_space<semaphore_mem>>)
      %dma_wait3A_70 = tpu.memref_slice %arg21[%mul3A_0] : memref<10240xf32, #tpu.memory_space<vmem_shared>> -> memref<640xf32, #tpu.memory_space<vmem_shared>>
      %dma_wait3A_71 = tpu.memref_slice %arg21[%mul3A_0] : memref<10240xf32, #tpu.memory_space<vmem_shared>> -> memref<640xf32, #tpu.memory_space<vmem_shared>>
      tpu.wait_dma2 semaphore(%run_scoped3A : memref<!tpu.dma_semaphore, #tpu.memory_space<semaphore_mem>>) src(%arg12 : memref<640xf32, #tpu.memory_space<vmem>>) dst(%dma_wait3A_71 : memref<640xf32, #tpu.memory_space<vmem_shared>>)
      tpu.yield
    }) : () -> ()
    %barrier3A_33 = arith.constant 0 : index
    tpu.barrier barrier_id(%barrier3A_33)
    "tpu.region"() ({
      %run_scoped3A = tpu.sem_alloc : memref<!tpu.dma_semaphore, #tpu.memory_space<semaphore_mem>>
      %dma_start3A_68 = arith.constant 0 : i32
      %dma_start3A_69 = tpu.memref_slice %arg22[%dma_start3A_68] : memref<10240xf32, #tpu.memory_space<vmem_shared>> -> memref<10240xf32, #tpu.memory_space<vmem_shared>>
      tpu.enqueue_indirect_dma source(%dma_start3A_69 : memref<10240xf32, #tpu.memory_space<vmem_shared>>) target(%arg14 : memref<20000xf32, #tpu.memory_space<vmem>>) offsets(%arg7 : memref<20000xi32, #tpu.memory_space<vmem>>) semaphore(%run_scoped3A : memref<!tpu.dma_semaphore, #tpu.memory_space<semaphore_mem>>)
      %dma_wait3A_70 = arith.constant 0 : i32
      %dma_wait3A_71 = tpu.memref_slice %arg22[%dma_wait3A_70] : memref<10240xf32, #tpu.memory_space<vmem_shared>> -> memref<10240xf32, #tpu.memory_space<vmem_shared>>
      tpu.wait_indirect_dma semaphore(%run_scoped3A : memref<!tpu.dma_semaphore, #tpu.memory_space<semaphore_mem>>) src(%dma_wait3A_71 : memref<10240xf32, #tpu.memory_space<vmem_shared>>) dst(%arg14 : memref<20000xf32, #tpu.memory_space<vmem>>)
      tpu.yield
    }) : () -> ()
    "tpu.region"() ({
      %run_scoped3A = tpu.sem_alloc : memref<!tpu.dma_semaphore, #tpu.memory_space<semaphore_mem>>
      %dma_start3A_68 = arith.constant 0 : i32
      %dma_start3A_69 = tpu.memref_slice %arg23[%dma_start3A_68] : memref<10240xf32, #tpu.memory_space<vmem_shared>> -> memref<10240xf32, #tpu.memory_space<vmem_shared>>
      tpu.enqueue_indirect_dma source(%arg14 : memref<20000xf32, #tpu.memory_space<vmem>>) target(%dma_start3A_69 : memref<10240xf32, #tpu.memory_space<vmem_shared>>) offsets(%arg8 : memref<20000xi32, #tpu.memory_space<vmem>>) semaphore(%run_scoped3A : memref<!tpu.dma_semaphore, #tpu.memory_space<semaphore_mem>>) {add = true}
      %dma_wait3A_70 = arith.constant 0 : i32
      %dma_wait3A_71 = tpu.memref_slice %arg23[%dma_wait3A_70] : memref<10240xf32, #tpu.memory_space<vmem_shared>> -> memref<10240xf32, #tpu.memory_space<vmem_shared>>
      tpu.wait_indirect_dma semaphore(%run_scoped3A : memref<!tpu.dma_semaphore, #tpu.memory_space<semaphore_mem>>) src(%arg14 : memref<20000xf32, #tpu.memory_space<vmem>>) dst(%dma_wait3A_71 : memref<10240xf32, #tpu.memory_space<vmem_shared>>)
      tpu.yield
    }) : () -> ()
    %barrier3A_34 = arith.constant 0 : index
    tpu.barrier barrier_id(%barrier3A_34)
    "tpu.region"() ({
      %run_scoped3A = tpu.sem_alloc : memref<!tpu.dma_semaphore, #tpu.memory_space<semaphore_mem>>
      %dma_start3A_68 = tpu.memref_slice %arg23[%mul3A_0] : memref<10240xf32, #tpu.memory_space<vmem_shared>> -> memref<640xf32, #tpu.memory_space<vmem_shared>>
      %dma_start3A_69 = tpu.memref_slice %arg23[%mul3A_0] : memref<10240xf32, #tpu.memory_space<vmem_shared>> -> memref<640xf32, #tpu.memory_space<vmem_shared>>
      tpu.enqueue_dma source(%dma_start3A_69 : memref<640xf32, #tpu.memory_space<vmem_shared>>) target(%arg10 : memref<640xf32, #tpu.memory_space<vmem>>) target_semaphore(%run_scoped3A : memref<!tpu.dma_semaphore, #tpu.memory_space<semaphore_mem>>)
      %dma_wait3A_70 = tpu.memref_slice %arg23[%mul3A_0] : memref<10240xf32, #tpu.memory_space<vmem_shared>> -> memref<640xf32, #tpu.memory_space<vmem_shared>>
      %dma_wait3A_71 = tpu.memref_slice %arg23[%mul3A_0] : memref<10240xf32, #tpu.memory_space<vmem_shared>> -> memref<640xf32, #tpu.memory_space<vmem_shared>>
      tpu.wait_dma2 semaphore(%run_scoped3A : memref<!tpu.dma_semaphore, #tpu.memory_space<semaphore_mem>>) src(%dma_wait3A_71 : memref<640xf32, #tpu.memory_space<vmem_shared>>) dst(%arg10 : memref<640xf32, #tpu.memory_space<vmem>>)
      tpu.yield
    }) : () -> ()
    %scan3A_35 = arith.constant 0 : i32
    %scan3A_36 = arith.constant 0 : i32
    %scan3A_37 = arith.constant 40 : i32
    %scan3A_38 = arith.addi %scan3A_36, %scan3A_37 : i32
    %scan3A_39 = arith.constant 1 : i32
    %scan3A_40 = scf.for %scan3A_68 = %scan3A_36 to %scan3A_38 step %scan3A_39 iter_args(%scan3A_69 = %scan3A_35) -> (i32)  : i32 {
      %mul3A_70 = arith.constant 16 : i32
      %mul3A_71 = arith.muli %scan3A_68, %mul3A_70 : i32
      %get3A = arith.index_cast %mul3A_71 : i32 to index
      %get3A_72 = tpu.vector_load %arg10[%get3A] {strides = array<i32>} : memref<640xf32, #tpu.memory_space<vmem>>, vector<16xf32>,
      %mul3A_73 = arith.constant 16 : i32
      %mul3A_74 = arith.muli %scan3A_68, %mul3A_73 : i32
      %get3A_75 = arith.index_cast %mul3A_74 : i32 to index
      %get3A_76 = tpu.vector_load %arg11[%get3A_75] {strides = array<i32>} : memref<640xf32, #tpu.memory_space<vmem>>, vector<16xf32>,
      %mul3A_77 = arith.constant 16 : i32
      %mul3A_78 = arith.muli %scan3A_68, %mul3A_77 : i32
      %get3A_79 = arith.index_cast %mul3A_78 : i32 to index
      %get3A_80 = tpu.vector_load %arg12[%get3A_79] {strides = array<i32>} : memref<640xf32, #tpu.memory_space<vmem>>, vector<16xf32>,
      %mul3A_81 = arith.mulf %get3A_72, %get3A_80 : vector<16xf32>
      %mul3A_82 = arith.mulf %mul3A_81, %get3A_76 : vector<16xf32>
      %mul3A_83 = arith.constant 16 : i32
      %mul3A_84 = arith.muli %scan3A_68, %mul3A_83 : i32
      %swap3A = arith.index_cast %mul3A_84 : i32 to index
      %swap3A_85 = tpu.vector_load %arg10[%swap3A] {strides = array<i32>} : memref<640xf32, #tpu.memory_space<vmem>>, vector<16xf32>,
      tpu.vector_store %arg10[%swap3A], %mul3A_82 {strides = array<i32>} : memref<640xf32, #tpu.memory_space<vmem>>, vector<16xf32>,
      %scan3A_86 = arith.constant 0 : i32
      scf.yield %scan3A_86 : i32
    }
    %scan3A_41 = arith.constant 40 : i32
    "tpu.region"() ({
      %run_scoped3A = tpu.sem_alloc : memref<!tpu.dma_semaphore, #tpu.memory_space<semaphore_mem>>
      %dma_start3A_68 = tpu.memref_slice %arg22[%mul3A_0] : memref<10240xf32, #tpu.memory_space<vmem_shared>> -> memref<640xf32, #tpu.memory_space<vmem_shared>>
      %dma_start3A_69 = tpu.memref_slice %arg22[%mul3A_0] : memref<10240xf32, #tpu.memory_space<vmem_shared>> -> memref<640xf32, #tpu.memory_space<vmem_shared>>
      tpu.enqueue_dma source(%arg10 : memref<640xf32, #tpu.memory_space<vmem>>) target(%dma_start3A_69 : memref<640xf32, #tpu.memory_space<vmem_shared>>) target_semaphore(%run_scoped3A : memref<!tpu.dma_semaphore, #tpu.memory_space<semaphore_mem>>)
      %dma_wait3A_70 = tpu.memref_slice %arg22[%mul3A_0] : memref<10240xf32, #tpu.memory_space<vmem_shared>> -> memref<640xf32, #tpu.memory_space<vmem_shared>>
      %dma_wait3A_71 = tpu.memref_slice %arg22[%mul3A_0] : memref<10240xf32, #tpu.memory_space<vmem_shared>> -> memref<640xf32, #tpu.memory_space<vmem_shared>>
      tpu.wait_dma2 semaphore(%run_scoped3A : memref<!tpu.dma_semaphore, #tpu.memory_space<semaphore_mem>>) src(%arg10 : memref<640xf32, #tpu.memory_space<vmem>>) dst(%dma_wait3A_71 : memref<640xf32, #tpu.memory_space<vmem_shared>>)
      tpu.yield
    }) : () -> ()
    "tpu.region"() ({
      %run_scoped3A = tpu.sem_alloc : memref<!tpu.dma_semaphore, #tpu.memory_space<semaphore_mem>>
      %dma_start3A_68 = tpu.memref_slice %arg23[%mul3A_0] : memref<10240xf32, #tpu.memory_space<vmem_shared>> -> memref<640xf32, #tpu.memory_space<vmem_shared>>
      %dma_start3A_69 = tpu.memref_slice %arg23[%mul3A_0] : memref<10240xf32, #tpu.memory_space<vmem_shared>> -> memref<640xf32, #tpu.memory_space<vmem_shared>>
      tpu.enqueue_dma source(%arg13 : memref<640xf32, #tpu.memory_space<vmem>>) target(%dma_start3A_69 : memref<640xf32, #tpu.memory_space<vmem_shared>>) target_semaphore(%run_scoped3A : memref<!tpu.dma_semaphore, #tpu.memory_space<semaphore_mem>>)
      %dma_wait3A_70 = tpu.memref_slice %arg23[%mul3A_0] : memref<10240xf32, #tpu.memory_space<vmem_shared>> -> memref<640xf32, #tpu.memory_space<vmem_shared>>
      %dma_wait3A_71 = tpu.memref_slice %arg23[%mul3A_0] : memref<10240xf32, #tpu.memory_space<vmem_shared>> -> memref<640xf32, #tpu.memory_space<vmem_shared>>
      tpu.wait_dma2 semaphore(%run_scoped3A : memref<!tpu.dma_semaphore, #tpu.memory_space<semaphore_mem>>) src(%arg13 : memref<640xf32, #tpu.memory_space<vmem>>) dst(%dma_wait3A_71 : memref<640xf32, #tpu.memory_space<vmem_shared>>)
      tpu.yield
    }) : () -> ()
    %barrier3A_42 = arith.constant 0 : index
    tpu.barrier barrier_id(%barrier3A_42)
    "tpu.region"() ({
      %run_scoped3A = tpu.sem_alloc : memref<!tpu.dma_semaphore, #tpu.memory_space<semaphore_mem>>
      %dma_start3A_68 = arith.constant 0 : i32
      %dma_start3A_69 = tpu.memref_slice %arg22[%dma_start3A_68] : memref<10240xf32, #tpu.memory_space<vmem_shared>> -> memref<10240xf32, #tpu.memory_space<vmem_shared>>
      tpu.enqueue_indirect_dma source(%dma_start3A_69 : memref<10240xf32, #tpu.memory_space<vmem_shared>>) target(%arg14 : memref<20000xf32, #tpu.memory_space<vmem>>) offsets(%arg7 : memref<20000xi32, #tpu.memory_space<vmem>>) semaphore(%run_scoped3A : memref<!tpu.dma_semaphore, #tpu.memory_space<semaphore_mem>>)
      %dma_wait3A_70 = arith.constant 0 : i32
      %dma_wait3A_71 = tpu.memref_slice %arg22[%dma_wait3A_70] : memref<10240xf32, #tpu.memory_space<vmem_shared>> -> memref<10240xf32, #tpu.memory_space<vmem_shared>>
      tpu.wait_indirect_dma semaphore(%run_scoped3A : memref<!tpu.dma_semaphore, #tpu.memory_space<semaphore_mem>>) src(%dma_wait3A_71 : memref<10240xf32, #tpu.memory_space<vmem_shared>>) dst(%arg14 : memref<20000xf32, #tpu.memory_space<vmem>>)
      tpu.yield
    }) : () -> ()
    "tpu.region"() ({
      %run_scoped3A = tpu.sem_alloc : memref<!tpu.dma_semaphore, #tpu.memory_space<semaphore_mem>>
      %dma_start3A_68 = arith.constant 0 : i32
      %dma_start3A_69 = tpu.memref_slice %arg23[%dma_start3A_68] : memref<10240xf32, #tpu.memory_space<vmem_shared>> -> memref<10240xf32, #tpu.memory_space<vmem_shared>>
      tpu.enqueue_indirect_dma source(%arg14 : memref<20000xf32, #tpu.memory_space<vmem>>) target(%dma_start3A_69 : memref<10240xf32, #tpu.memory_space<vmem_shared>>) offsets(%arg8 : memref<20000xi32, #tpu.memory_space<vmem>>) semaphore(%run_scoped3A : memref<!tpu.dma_semaphore, #tpu.memory_space<semaphore_mem>>) {add = true}
      %dma_wait3A_70 = arith.constant 0 : i32
      %dma_wait3A_71 = tpu.memref_slice %arg23[%dma_wait3A_70] : memref<10240xf32, #tpu.memory_space<vmem_shared>> -> memref<10240xf32, #tpu.memory_space<vmem_shared>>
      tpu.wait_indirect_dma semaphore(%run_scoped3A : memref<!tpu.dma_semaphore, #tpu.memory_space<semaphore_mem>>) src(%arg14 : memref<20000xf32, #tpu.memory_space<vmem>>) dst(%dma_wait3A_71 : memref<10240xf32, #tpu.memory_space<vmem_shared>>)
      tpu.yield
    }) : () -> ()
    %barrier3A_43 = arith.constant 0 : index
    tpu.barrier barrier_id(%barrier3A_43)
    "tpu.region"() ({
      %run_scoped3A = tpu.sem_alloc : memref<!tpu.dma_semaphore, #tpu.memory_space<semaphore_mem>>
      %dma_start3A_68 = tpu.memref_slice %arg23[%mul3A_0] : memref<10240xf32, #tpu.memory_space<vmem_shared>> -> memref<640xf32, #tpu.memory_space<vmem_shared>>
      %dma_start3A_69 = tpu.memref_slice %arg23[%mul3A_0] : memref<10240xf32, #tpu.memory_space<vmem_shared>> -> memref<640xf32, #tpu.memory_space<vmem_shared>>
      tpu.enqueue_dma source(%dma_start3A_69 : memref<640xf32, #tpu.memory_space<vmem_shared>>) target(%arg10 : memref<640xf32, #tpu.memory_space<vmem>>) target_semaphore(%run_scoped3A : memref<!tpu.dma_semaphore, #tpu.memory_space<semaphore_mem>>)
      %dma_wait3A_70 = tpu.memref_slice %arg23[%mul3A_0] : memref<10240xf32, #tpu.memory_space<vmem_shared>> -> memref<640xf32, #tpu.memory_space<vmem_shared>>
      %dma_wait3A_71 = tpu.memref_slice %arg23[%mul3A_0] : memref<10240xf32, #tpu.memory_space<vmem_shared>> -> memref<640xf32, #tpu.memory_space<vmem_shared>>
      tpu.wait_dma2 semaphore(%run_scoped3A : memref<!tpu.dma_semaphore, #tpu.memory_space<semaphore_mem>>) src(%dma_wait3A_71 : memref<640xf32, #tpu.memory_space<vmem_shared>>) dst(%arg10 : memref<640xf32, #tpu.memory_space<vmem>>)
      tpu.yield
    }) : () -> ()
    %scan3A_44 = arith.constant 0 : i32
    %scan3A_45 = arith.constant 0 : i32
    %scan3A_46 = arith.constant 40 : i32
    %scan3A_47 = arith.addi %scan3A_45, %scan3A_46 : i32
    %scan3A_48 = arith.constant 1 : i32
    %scan3A_49 = scf.for %scan3A_68 = %scan3A_45 to %scan3A_47 step %scan3A_48 iter_args(%scan3A_69 = %scan3A_44) -> (i32)  : i32 {
      %mul3A_70 = arith.constant 16 : i32
      %mul3A_71 = arith.muli %scan3A_68, %mul3A_70 : i32
      %get3A = arith.index_cast %mul3A_71 : i32 to index
      %get3A_72 = tpu.vector_load %arg10[%get3A] {strides = array<i32>} : memref<640xf32, #tpu.memory_space<vmem>>, vector<16xf32>,
      %mul3A_73 = arith.constant 16 : i32
      %mul3A_74 = arith.muli %scan3A_68, %mul3A_73 : i32
      %get3A_75 = arith.index_cast %mul3A_74 : i32 to index
      %get3A_76 = tpu.vector_load %arg12[%get3A_75] {strides = array<i32>} : memref<640xf32, #tpu.memory_space<vmem>>, vector<16xf32>,
      %mul3A_77 = arith.mulf %get3A_72, %get3A_76 : vector<16xf32>
      %mul3A_78 = arith.constant 16 : i32
      %mul3A_79 = arith.muli %scan3A_68, %mul3A_78 : i32
      %swap3A = arith.index_cast %mul3A_79 : i32 to index
      %swap3A_80 = tpu.vector_load %arg10[%swap3A] {strides = array<i32>} : memref<640xf32, #tpu.memory_space<vmem>>, vector<16xf32>,
      tpu.vector_store %arg10[%swap3A], %mul3A_77 {strides = array<i32>} : memref<640xf32, #tpu.memory_space<vmem>>, vector<16xf32>,
      %scan3A_81 = arith.constant 0 : i32
      scf.yield %scan3A_81 : i32
    }
    %scan3A_50 = arith.constant 40 : i32
    %broadcast_in_dim3A_51 = arith.constant 1.000000e+00 : f32
    %broadcast_in_dim3A_52 = vector.broadcast %broadcast_in_dim3A_51 : f32 to vector<16xf32>
    %scan3A_53 = arith.constant 0 : i32
    %scan3A_54 = arith.constant 0 : i32
    %scan3A_55 = arith.constant 40 : i32
    %scan3A_56 = arith.addi %scan3A_54, %scan3A_55 : i32
    %scan3A_57 = arith.constant 1 : i32
    %scan3A_58 = scf.for %scan3A_68 = %scan3A_54 to %scan3A_56 step %scan3A_57 iter_args(%scan3A_69 = %scan3A_53) -> (i32)  : i32 {
      %mul3A_70 = arith.constant 16 : i32
      %mul3A_71 = arith.muli %scan3A_68, %mul3A_70 : i32
      %swap3A = arith.index_cast %mul3A_71 : i32 to index
      %swap3A_72 = tpu.vector_load %arg11[%swap3A] {strides = array<i32>} : memref<640xf32, #tpu.memory_space<vmem>>, vector<16xf32>,
      tpu.vector_store %arg11[%swap3A], %broadcast_in_dim3A_52 {strides = array<i32>} : memref<640xf32, #tpu.memory_space<vmem>>, vector<16xf32>,
      %scan3A_73 = arith.constant 0 : i32
      scf.yield %scan3A_73 : i32
    }
    %scan3A_59 = arith.constant 40 : i32
    "tpu.region"() ({
      %run_scoped3A = tpu.sem_alloc : memref<!tpu.dma_semaphore, #tpu.memory_space<semaphore_mem>>
      %dma_start3A_68 = arith.constant 0 : i32
      %dma_start3A_69 = tpu.memref_slice %arg24[%dma_start3A_68] : memref<144xf32, #tpu.memory_space<vmem_shared>> -> memref<144xf32, #tpu.memory_space<vmem_shared>>
      tpu.enqueue_indirect_dma source(%arg10 : memref<640xf32, #tpu.memory_space<vmem>>) target(%dma_start3A_69 : memref<144xf32, #tpu.memory_space<vmem_shared>>) offsets(%arg9 : memref<640xi32, #tpu.memory_space<vmem>>) semaphore(%run_scoped3A : memref<!tpu.dma_semaphore, #tpu.memory_space<semaphore_mem>>) {add = true}
      %dma_wait3A_70 = arith.constant 0 : i32
      %dma_wait3A_71 = tpu.memref_slice %arg24[%dma_wait3A_70] : memref<144xf32, #tpu.memory_space<vmem_shared>> -> memref<144xf32, #tpu.memory_space<vmem_shared>>
      tpu.wait_indirect_dma semaphore(%run_scoped3A : memref<!tpu.dma_semaphore, #tpu.memory_space<semaphore_mem>>) src(%arg10 : memref<640xf32, #tpu.memory_space<vmem>>) dst(%dma_wait3A_71 : memref<144xf32, #tpu.memory_space<vmem_shared>>)
      tpu.yield
    }) : () -> ()
    "tpu.region"() ({
      %run_scoped3A = tpu.sem_alloc : memref<!tpu.dma_semaphore, #tpu.memory_space<semaphore_mem>>
      %dma_start3A_68 = arith.constant 0 : i32
      %dma_start3A_69 = tpu.memref_slice %arg25[%dma_start3A_68] : memref<144xf32, #tpu.memory_space<vmem_shared>> -> memref<144xf32, #tpu.memory_space<vmem_shared>>
      tpu.enqueue_indirect_dma source(%arg11 : memref<640xf32, #tpu.memory_space<vmem>>) target(%dma_start3A_69 : memref<144xf32, #tpu.memory_space<vmem_shared>>) offsets(%arg9 : memref<640xi32, #tpu.memory_space<vmem>>) semaphore(%run_scoped3A : memref<!tpu.dma_semaphore, #tpu.memory_space<semaphore_mem>>) {add = true}
      %dma_wait3A_70 = arith.constant 0 : i32
      %dma_wait3A_71 = tpu.memref_slice %arg25[%dma_wait3A_70] : memref<144xf32, #tpu.memory_space<vmem_shared>> -> memref<144xf32, #tpu.memory_space<vmem_shared>>
      tpu.wait_indirect_dma semaphore(%run_scoped3A : memref<!tpu.dma_semaphore, #tpu.memory_space<semaphore_mem>>) src(%arg11 : memref<640xf32, #tpu.memory_space<vmem>>) dst(%dma_wait3A_71 : memref<144xf32, #tpu.memory_space<vmem_shared>>)
      tpu.yield
    }) : () -> ()
    %barrier3A_60 = arith.constant 0 : index
    tpu.barrier barrier_id(%barrier3A_60)
    %eq3A_61 = arith.constant 0 : i32
    %eq3A_62 = arith.cmpi eq, %arg1, %eq3A_61 : i32
    %eq3A_63 = arith.constant 0 : i32
    %eq3A_64 = arith.cmpi eq, %arg0, %eq3A_63 : i32
    %and3A = arith.andi %eq3A_62, %eq3A_64 : i1
    %convert_element_type3A_65 = arith.extui %and3A : i1 to i32
    %cond3A_66 = arith.constant 0 : i32
    %cond3A_67 = arith.cmpi ne, %convert_element_type3A_65, %cond3A_66 : i32
    scf.if %cond3A_67 {
      "tpu.region"() ({
        %run_scoped3A = tpu.sem_alloc : memref<!tpu.dma_semaphore, #tpu.memory_space<semaphore_mem>>
        tpu.enqueue_dma source(%arg24 : memref<144xf32, #tpu.memory_space<vmem_shared>>) target(%arg15 : memref<144xf32, #tpu.memory_space<vmem>>) target_semaphore(%run_scoped3A : memref<!tpu.dma_semaphore, #tpu.memory_space<semaphore_mem>>)
        tpu.wait_dma2 semaphore(%run_scoped3A : memref<!tpu.dma_semaphore, #tpu.memory_space<semaphore_mem>>) src(%arg24 : memref<144xf32, #tpu.memory_space<vmem_shared>>) dst(%arg15 : memref<144xf32, #tpu.memory_space<vmem>>)
        tpu.yield
      }) : () -> ()
      "tpu.region"() ({
        %run_scoped3A = tpu.sem_alloc : memref<!tpu.dma_semaphore, #tpu.memory_space<semaphore_mem>>
        tpu.enqueue_dma source(%arg15 : memref<144xf32, #tpu.memory_space<vmem>>) target(%arg5 : memref<144xf32, #tpu.memory_space<hbm>>) target_semaphore(%run_scoped3A : memref<!tpu.dma_semaphore, #tpu.memory_space<semaphore_mem>>)
        tpu.wait_dma2 semaphore(%run_scoped3A : memref<!tpu.dma_semaphore, #tpu.memory_space<semaphore_mem>>) src(%arg15 : memref<144xf32, #tpu.memory_space<vmem>>) dst(%arg5 : memref<144xf32, #tpu.memory_space<hbm>>)
        tpu.yield
      }) : () -> ()
      "tpu.region"() ({
        %run_scoped3A = tpu.sem_alloc : memref<!tpu.dma_semaphore, #tpu.memory_space<semaphore_mem>>
        tpu.enqueue_dma source(%arg25 : memref<144xf32, #tpu.memory_space<vmem_shared>>) target(%arg16 : memref<144xf32, #tpu.memory_space<vmem>>) target_semaphore(%run_scoped3A : memref<!tpu.dma_semaphore, #tpu.memory_space<semaphore_mem>>)
        tpu.wait_dma2 semaphore(%run_scoped3A : memref<!tpu.dma_semaphore, #tpu.memory_space<semaphore_mem>>) src(%arg25 : memref<144xf32, #tpu.memory_space<vmem_shared>>) dst(%arg16 : memref<144xf32, #tpu.memory_space<vmem>>)
        tpu.yield
      }) : () -> ()
      "tpu.region"() ({
        %run_scoped3A = tpu.sem_alloc : memref<!tpu.dma_semaphore, #tpu.memory_space<semaphore_mem>>
        tpu.enqueue_dma source(%arg16 : memref<144xf32, #tpu.memory_space<vmem>>) target(%arg6 : memref<144xf32, #tpu.memory_space<hbm>>) target_semaphore(%run_scoped3A : memref<!tpu.dma_semaphore, #tpu.memory_space<semaphore_mem>>)
        tpu.wait_dma2 semaphore(%run_scoped3A : memref<!tpu.dma_semaphore, #tpu.memory_space<semaphore_mem>>) src(%arg16 : memref<144xf32, #tpu.memory_space<vmem>>) dst(%arg6 : memref<144xf32, #tpu.memory_space<hbm>>)
        tpu.yield
      }) : () -> ()
    } else {
    }
    return
  }
}

module attributes {stable_mosaic.version = 14 : i64} {
  func.func @_tc_tail_body(%arg0: memref<128x1xf32, #tpu.memory_space<vmem>>, %arg1: memref<128x1xf32, #tpu.memory_space<vmem>>, %arg2: memref<1x128xf32, #tpu.memory_space<vmem>>, %arg3: memref<128x128xf32, #tpu.memory_space<vmem>>, %arg4: memref<128x10xf32, #tpu.memory_space<vmem>>, %arg5: memref<1x10xf32, #tpu.memory_space<vmem>>, %arg6: memref<128x10xf32, #tpu.memory_space<vmem>>) attributes {dimension_semantics = [], scalar_prefetch = 0 : i64, scratch_operands = 0 : i64, tpu.core_type = #tpu.core_type<tc>} {
    %get3A = arith.constant 0 : index
    %get3A_0 = arith.constant 0 : index
    %get3A_1 = vector.load %arg2[%get3A, %get3A_0] : memref<1x128xf32, #tpu.memory_space<vmem>>, vector<1x128xf32>
    %max3A = arith.constant 0.000000e+00 : f32
    %max3A_2 = vector.broadcast %max3A : f32 to vector<1x128xf32>
    %max3A_3 = arith.maximumf %get3A_1, %max3A_2 : vector<1x128xf32>
    %get3A_4 = arith.constant 0 : index
    %get3A_5 = arith.constant 0 : index
    %get3A_6 = vector.load %arg3[%get3A_4, %get3A_5] : memref<128x128xf32, #tpu.memory_space<vmem>>, vector<128x128xf32>
    %dot_general3A = arith.constant dense<0.000000e+00> : vector<1x128xf32>
    %dot_general3A_7 = tpu.matmul %max3A_3, %get3A_6, %dot_general3A {dimension_numbers = #tpu.dot_dimension_numbers<[1], [0], [0], [1], [0, 0, 1, 1], [], []>, transpose_lhs_hint = false} : vector<1x128xf32>, vector<128x128xf32>, vector<1x128xf32> -> vector<1x128xf32>
    %max3A_8 = arith.constant 0.000000e+00 : f32
    %max3A_9 = vector.broadcast %max3A_8 : f32 to vector<1x128xf32>
    %max3A_10 = arith.maximumf %dot_general3A_7, %max3A_9 : vector<1x128xf32>
    %get3A_11 = arith.constant 0 : index
    %get3A_12 = arith.constant 0 : index
    %get3A_13 = vector.load %arg4[%get3A_11, %get3A_12] : memref<128x10xf32, #tpu.memory_space<vmem>>, vector<128x10xf32>
    %dot_general3A_14 = arith.constant dense<0.000000e+00> : vector<1x10xf32>
    %dot_general3A_15 = tpu.matmul %max3A_10, %get3A_13, %dot_general3A_14 {dimension_numbers = #tpu.dot_dimension_numbers<[1], [0], [0], [1], [0, 0, 1, 1], [], []>, transpose_lhs_hint = false} : vector<1x128xf32>, vector<128x10xf32>, vector<1x10xf32> -> vector<1x10xf32>
    %get3A_16 = arith.constant 0 : index
    %get3A_17 = arith.constant 0 : index
    %get3A_18 = vector.load %arg0[%get3A_16, %get3A_17] : memref<128x1xf32, #tpu.memory_space<vmem>>, vector<128x1xf32>
    %get3A_19 = arith.constant 0 : index
    %get3A_20 = arith.constant 0 : index
    %get3A_21 = vector.load %arg1[%get3A_19, %get3A_20] : memref<128x1xf32, #tpu.memory_space<vmem>>, vector<128x1xf32>
    %max3A_22 = arith.constant 1.000000e+00 : f32
    %max3A_23 = vector.broadcast %max3A_22 : f32 to vector<128x1xf32>
    %max3A_24 = arith.maximumf %get3A_21, %max3A_23 : vector<128x1xf32>
    %div3A = arith.divf %get3A_18, %max3A_24 : vector<128x1xf32>
    %mul3A = vector.broadcast %div3A : vector<128x1xf32> to vector<128x10xf32>
    %mul3A_25 = vector.broadcast %dot_general3A_15 : vector<1x10xf32> to vector<128x10xf32>
    %mul3A_26 = arith.mulf %mul3A, %mul3A_25 : vector<128x10xf32>
    %get3A_27 = arith.constant 0 : index
    %get3A_28 = arith.constant 0 : index
    %get3A_29 = vector.load %arg5[%get3A_27, %get3A_28] : memref<1x10xf32, #tpu.memory_space<vmem>>, vector<1x10xf32>
    %add3A = vector.broadcast %get3A_29 : vector<1x10xf32> to vector<128x10xf32>
    %add3A_30 = arith.addf %mul3A_26, %add3A : vector<128x10xf32>
    %swap3A = arith.constant 0 : index
    %swap3A_31 = arith.constant 0 : index
    %swap3A_32 = vector.load %arg6[%swap3A, %swap3A_31] : memref<128x10xf32, #tpu.memory_space<vmem>>, vector<128x10xf32>
    tpu.vector_store %arg6[%swap3A, %swap3A_31], %add3A_30 {strides = array<i32>} : memref<128x10xf32, #tpu.memory_space<vmem>>, vector<128x10xf32>,
    return
  }
}

</mosaic_0001>

<sc_bundles>
// kernel: kernel.4.cloned.1.call-start
scs
__scs_entry_jumppad:
0x0: {  	(pc) =	sbr.rel $0x88, $3  }
0x1: {  	(tag) =	ssettag $0x0;
	lr =	simm.s32 $0x1  }
0x2: {  	[smem:$0x3F9B] =	sst lr;
	_ =	strace $0xD0000000  }
0x3: {  	_ = 	snop  }
0x4: {  	_ = 	snop  }
0x5: {  	_ = 	snop  }
0x6: {  	_ = 	snop  }
0x7: {  	_ = 	snop  }
__scs_overlays_trampoline_lowered:
0x8: {  	[smem:$0x3FAA] =	sst s0  }
0x9: {  	[smem:$0x3FAB] =	sst s1  }
0xa: {  	[smem:$0x3FAC] =	sst s2  }
0xb: {  	[smem:$0x3FAD] =	sst s3  }
0xc: {  	[smem:$0x3FAE] =	sst s4  }
0xd: {  	[smem:$0x3FAF] =	sst s5  }
0xe: {  	[smem:$0x3FB0] =	sst s6  }
0xf: {  	[smem:$0x3FB1] =	sst s7  }
0x10: {  	[smem:$0x3FB2] =	sst s8  }
0x11: {  	[smem:$0x3FB3] =	sst s9;
	s0 =	simm.s32 @!p0 $0x0  }
0x12: {  	s1 =	sld [smem:$0x3F99];
	s0 =	simm.s32 @p0 $0x1  }
0x13: {  	[smem:$0x3FB4] =	sst s0;
	s0 =	simm.s32 @!p1 $0x0  }
0x14: {  	s2 =	sld [smem:$0x3F98];
	s0 =	simm.s32 @p1 $0x1  }
0x15: {  	[smem:$0x3FB5] =	sst s0;
	s0 =	simm.s32 @!p2 $0x0  }
0x16: {  	s3 =	sld [smem:$0x3FDB];
	s0 =	simm.s32 @p2 $0x1  }
0x17: {  	s4 =	simm.s32 $0x1BF5;
	[smem:$0x3FB7] =	sst s0  }
0x18: {  	s0 =	sld [smem:$0x3F9A];
	_ =	swait.ge [sflag:s4], $0x0  }
0x19: {  	s7 =	sld [smem:$0x3F9B]  }
0x1a: {  	s8 =	sadd.s32 $0xFFFFE003, lr  }
0x1b: {  	s9 =	sadd.s32 $0xFFFFFEF7, lr;
	s5 =	simm.s32 $0xFFFFFFFF;
	p2 =	slt.u32 s8, $0xFFFFF086  }
0x1c: {  	p1 =	slt.u32 s9, $0xF7A;
	s5 =	simm.s32 @!p2 $0x0  }
0x1d: {  	s5 =	simm.s32 @p1 $0x1;
	p0 =	seq.s32 s7, s2  }
0x1e: {  	s7 =	smul.u32 @!p0 $0xF7A, s2;
	p2 =	seq.s32 @!p0 s5, $0x0  }
0x1f: {  	s9 =	smul.u32 $0xF7A, s1;
	s8 =	simm.s32 @!p0 $0x1BF5;
	p2 =	por !p2, p0  }
0x20: {  	[sflag:s8] =	ssyncset.s32 @!p0 $0xFFFFF086;
	s6 =	sadd.s32 @!p0 s3, s7;
	s7 =	simm.s32 @!p0 $0x108  }
0x21: {  	s3 =	sadd.s32 s3, s9;
	s6 =	sadd.s32 @!p0 $0x88, s6;
	s7 =	simm.s32 @p2 $0x1082  }
0x22: {  	[simem:s7], [sflag:s8] =	dma.local @!p0 [hbm:s6], $0xF7A  }
0x23: {  	s9 =	sor.u32 $0xD0000000, s2;
	s6 =	simm.s32 $0x108;
	_ =	swait.ge @!p0 [sflag:s8], $0x0  }
0x24: {  	s3 =	sadd.s32 $0x88, s3;
	s6 =	simm.s32 @!p1 $0x1082;
	[sflag:s4] =	ssyncset.s32 $0xFFFFF086  }
0x25: {  	[simem:s6], [sflag:s4] =	dma.local [hbm:s3], $0xF7A  }
0x26: {  	[smem:$0x3F9B] =	sst s1;
	(tag) =	ssettag s2;
	_ =	strace s9  }
0x27: {  	s1 =	sld [smem:$0x3FAB]  }
0x28: {  	s2 =	sld [smem:$0x3FAC]  }
0x29: {  	s4 =	sld [smem:$0x3FAE]  }
0x2a: {  	p0 =	seq.s32 s5, $0x0;
	s5 =	sld [smem:$0x3FAF]  }
0x2b: {  	s6 =	sld [smem:$0x3FB0]  }
0x2c: {  	s7 =	sld [smem:$0x3FB1]  }
0x2d: {  	s3 =	simm.s32 $0x108;
	s8 =	sld [smem:$0x3FB2]  }
0x2e: {  	s3 =	simm.s32 @!p0 $0x1082;
	s9 =	sld [smem:$0x3FB3]  }
0x2f: {  	lr =	sadd.s32 s0, s3;
	s0 =	sld [smem:$0x3FAA]  }
0x30: {  	s3 =	sld [smem:$0x3FAD]  }
0x31: {  	[smem:$0x3FB6] =	sst s10  }
0x32: {  	s10 =	sld [smem:$0x3FB4];
	_ =	sdelay $0x3  }
0x33: {  	p0 =	seq.s32 s10, $0x1;
	s10 =	sld [smem:$0x3FB6];
	_ =	sdelay $0x3  }
0x34: {  	[smem:$0x3FB6] =	sst s10  }
0x35: {  	s10 =	sld [smem:$0x3FB5];
	_ =	sdelay $0x3  }
0x36: {  	p1 =	seq.s32 s10, $0x1;
	s10 =	sld [smem:$0x3FB6];
	_ =	sdelay $0x3  }
0x37: {  	[smem:$0x3FB6] =	sst s10  }
0x38: {  	s10 =	sld [smem:$0x3FB7]  }
0x39: {  	_ = 	snop;
	(pc) =	sbr.ind lr, $3  }
0x3a: {  	_ = 	snop  }
0x3b: {  	_ = 	snop  }
0x3c: {  	p2 =	seq.s32 s10, $0x1;
	s10 =	sld [smem:$0x3FB6]  }
0x3d: {  	_ =	shalt  }
0x3e: {  	_ =	shalt  }
0x3f: {  	_ =	shalt  }
0x40: {  	_ =	shalt  }
0x41: {  	_ =	shalt  }
0x42: {  	_ =	shalt  }
0x43: {  	_ =	shalt  }
0x44: {  	_ =	shalt  }
0x45: {  	_ =	shalt  }
0x46: {  	_ =	shalt  }
0x47: {  	_ =	shalt  }
0x48: {  	_ =	shalt  }
0x49: {  	_ =	shalt  }
0x4a: {  	_ =	shalt  }
0x4b: {  	_ =	shalt  }
0x4c: {  	_ =	shalt  }
0x4d: {  	_ =	shalt  }
0x4e: {  	_ =	shalt  }
0x4f: {  	_ =	shalt  }
0x50: {  	_ =	shalt  }
0x51: {  	_ =	shalt  }
0x52: {  	_ =	shalt  }
0x53: {  	_ =	shalt  }
0x54: {  	_ =	shalt  }
0x55: {  	_ =	shalt  }
0x56: {  	_ =	shalt  }
0x57: {  	_ =	shalt  }
0x58: {  	_ =	shalt  }
0x59: {  	_ =	shalt  }
0x5a: {  	_ =	shalt  }
0x5b: {  	_ =	shalt  }
0x5c: {  	_ =	shalt  }
0x5d: {  	_ =	shalt  }
0x5e: {  	_ =	shalt  }
0x5f: {  	_ =	shalt  }
0x60: {  	_ =	shalt  }
0x61: {  	_ =	shalt  }
0x62: {  	_ =	shalt  }
0x63: {  	_ =	shalt  }
0x64: {  	_ =	shalt  }
0x65: {  	_ =	shalt  }
0x66: {  	_ =	shalt  }
0x67: {  	_ =	shalt  }
0x68: {  	_ =	shalt  }
0x69: {  	_ =	shalt  }
0x6a: {  	_ =	shalt  }
0x6b: {  	_ =	shalt  }
0x6c: {  	_ =	shalt  }
0x6d: {  	_ =	shalt  }
0x6e: {  	_ =	shalt  }
0x6f: {  	_ =	shalt  }
0x70: {  	_ =	shalt  }
0x71: {  	_ =	shalt  }
0x72: {  	_ =	shalt  }
0x73: {  	_ =	shalt  }
0x74: {  	_ =	shalt  }
0x75: {  	_ =	shalt  }
0x76: {  	_ =	shalt  }
0x77: {  	_ =	shalt  }
0x78: {  	_ =	shalt  }
0x79: {  	_ =	shalt  }
0x7a: {  	_ =	shalt  }
0x7b: {  	_ =	shalt  }
0x7c: {  	_ =	shalt  }
0x7d: {  	_ =	shalt  }
0x7e: {  	_ =	shalt  }
0x7f: {  	_ =	shalt  }
0x80: {  	_ =	shalt  }
0x81: {  	_ =	shalt  }
0x82: {  	_ =	shalt  }
0x83: {  	_ =	shalt  }
0x84: {  	_ =	shalt  }
0x85: {  	_ =	shalt  }
0x86: {  	_ =	shalt  }
0x87: {  	_ =	shalt  }
.Lfunc_end0:
.L_simem_size_0:
called_computation_lowered:
.L_overlay_start_0:
0x88: {  	s2 =	sld [smem:$0x3FD9]  }
0x89: {  	s3 =	sld [smem:$0x3FFE];
	_ =	sdelay $0x1  }
0x8a: {  	s1 =	srdreg.scid  }
0x8b: {  	s0 =	sand.u32 $0x1, s1  }
0x8c: {  	s17 =	sshll.u32 s0, $0xA;
	s2 =	sadd.s32 s3, s2  }
0x8d: {  	s2 =	sadd.s32 s2, s17  }
0x8e: {  	[smem:$0x3FC2] =	sst s2  }
0x8f: {  	_ = 	snop  }
0x90: {  	s2 =	sld [smem:$0x3FD0];
	(tm) =	ssettm $0x1  }
0x91: {  	s18 =	sld [smem:$0x3FFB];
	_ =	sdelay $0x3  }
0x92: {  	_ =	strace s18  }
0x93: {  	s3 =	sld [smem:$0x3FFC];
	_ =	sdelay $0x3  }
0x94: {  	_ =	strace s3  }
0x95: {  	s3 =	sld [smem:$0x3FFD];
	_ =	sdelay $0x3  }
0x96: {  	_ =	strace s3  }
0x97: {  	_ =	strace $0x8FFFFFFF  }
0x98: {  	s19 =	sld [smem:$0x3FDB];
	_ =	sdelay $0x1  }
0x99: {  	s4 =	simm.s32 $_scs_section_size  }
0x9a: {  	s5 =	simm.s32 $_size__tile_overlayer_lowered;
	s6 =	simm.s32 $_tile_overlayer_lowered  }
0x9b: {  	s22 =	simm.s32 $0x1BFF;
	s21 =	sshll.u32 s6, $0x1;
	s3 =	sadd.s32 s4, s19  }
0x9c: {  	s7 =	simm.s32 $0x0;
	s20 =	sshll.u32 s5, $0x1;
	s5 =	sadd.s32 s21, s3  }
0x9d: {  	[timem:s7], [sflag:s22] =	dma.local [hbm:s5], s20  }
0x9e: {  	_ =	swait.ge [sflag:s22], s20  }
0x9f: {  	s4 =	ssub.s32 $0x0, s20;
	[sflag:s22] =	ssyncset.done $0x0  }
0xa0: {  	[sflag:s22] =	ssyncadd.s32 s4;
	_ =	sdelay $0x1  }
0xa1: {  	s23 =	simm.s32 $0x1B8B  }
0xa2: {  	_ =	swait.ge [sflag:s23], $0x1  }
0xa3: {  	[sflag:s23] =	ssyncset.done $0x0  }
0xa4: {  	s25 =	simm.s32 $0x1B8E;
	s24 =	sld [smem:$0x3FFE];
	[sflag:s23] =	ssyncadd.s32 $0xFFFFFFFF  }
0xa5: {  	s26 =	simm.s32 $execute0_lowered;
	[smem:$0x3FD2] =	sst s25  }
0xa6: {  	s5 =	sshll.u32 s26, $0x1;
	_ =	strace $0x80000046;
	[dreg:$0x1] =	wrdreg $0xFFFFFFFF  }
0xa7: {  	s28 =	simm.s32 $_size_execute0_lowered;
	s3 =	sadd.s32 s3, s5;
	[dreg:$0x0] =	wrdreg $0x0  }
0xa8: {  	s5 =	sshll.u32 s28, $0x1;
	[dreg:$0x2] =	wrdreg s3  }
0xa9: {  	[dreg:$0x3] =	wrdreg s5  }
0xaa: {  	[dreg:$0x4] =	wrdreg $0xC0  }
0xab: {  	_ =	task [dreg:s7], $0x5FFFF  }
0xac: {  	[dreg:$0x1] =	wrdreg $0xFFFFFFFF  }
0xad: {  	[dreg:$0x0] =	wrdreg $0x60  }
0xae: {  	[dreg:$0x2] =	wrdreg s24  }
0xaf: {  	[dreg:$0x3] =	wrdreg s2  }
0xb0: {  	[dreg:$0x4] =	wrdreg $0xFA000  }
0xb1: {  	[dreg:$0x5] =	wrdreg $0xFC800  }
0xb2: {  	[dreg:$0x6] =	wrdreg $0x106800  }
0xb3: {  	[dreg:$0x7] =	wrdreg $0x109000  }
0xb4: {  	[dreg:$0x8] =	wrdreg $0x109100  }
0xb5: {  	[dreg:$0x9] =	wrdreg $0x104000  }
0xb6: {  	[dreg:$0xa] =	wrdreg $0xFF000  }
0xb7: {  	[dreg:$0xb] =	wrdreg $0x101800  }
0xb8: {  	[dreg:$0xc] =	wrdreg $0x9  }
0xb9: {  	_ =	task.clear_ibuf [dreg:s7], $0xDFFFF;
	_ =	strace $0x90000046  }
0xba: {  	s29 =	simm.s32 $0x9;
	_ =	strace $0x80000048  }
0xbb: {  	_ =	swait.ge [sflag:s29], $0x1  }
0xbc: {  	[sflag:s29] =	ssyncadd.s32 $0xFFFFFFFF  }
0xbd: {  	_ =	strace $0x90000048  }
0xbe: {  	_ =	sfence  }
0xbf: {  	s30 =	sld [smem:$0x0];
	_ =	sdelay $0x2  }
0xc0: {  	s31 =	sshll.u32 s1, $0xD;
	s1 =	sshrl.u32 s1, $0x2  }
0xc1: {  	s3 =	sand.u32 $0x4000, s31;
	s1 =	sadd.s32 s1, s30  }
0xc2: {  	s0 =	sor.u32 s3, s0;
	s1 =	sshll.u32 s1, $0x11  }
0xc3: {  	s0 =	sor.u32 s1, s0  }
0xc4: {  	s0 =	sadd.s32 $0x8F2B, s0  }
0xc5: {  	[sflag:s0] =	ssyncadd.remote.s32 $0x1  }
0xc6: {  	_ =	sfence.sel $0xFFFF  }
0xc7: {  	[dreg:$0x0] =	wrdreg $0xFFFFFFFF;
	(pc) =	sbr.abs _section_cstart, $3  }
0xc8: {  	[dreg:$0x1] =	wrdreg $0xFFFFFFFF  }
0xc9: {  	_ =	task.clear_ibuf [dreg:s7], $0x2FFFF;
	_ =	strace $0x9FFFFFFF  }
0xca: {  	(tm) =	ssettm $0x7FFFFFFF  }
0xcb: {  	_ =	shalt  }
tec
execute0_lowered:
.L_overlay_start_1:
0x0: {  	(tag) =	ssettag $0x1  }
0x1: {  	s0 =	rddreg [dreg:$0x0]  }
0x2: {  	s13 =	rddreg [dreg:$0x2]  }
0x3: {  	s14 =	rddreg [dreg:$0x3]  }
0x4: {  	s15 =	rddreg [dreg:$0x4]  }
0x5: {  	s4 =	rddreg [dreg:$0x5]  }
0x6: {  	s5 =	rddreg [dreg:$0x6]  }
0x7: {  	s16 =	rddreg [dreg:$0x7]  }
0x8: {  	s1 =	rddreg [dreg:$0x8];
	s2 =	stileid.u32  }
0x9: {  	s3 =	rddreg [dreg:$0x9];
	s7 =	simm.s32 $0x0;
	s10 =	srdreg.scid  }
0xa: {  	s20 =	simm.s32 $0x80;
	s21 =	simm.s32 $0x400;
	s22 =	simm.s32 $0x2  }
0xb: {  	s23 =	simm.s32 $0x4E80;
	s24 =	simm.s32 $0x9D00;
	s28 =	simm.s32 $0xA980  }
0xc: {  	s29 =	simm.s32 $0x1;
	s30 =	simm.s32 $0x9F80;
	s31 =	simm.s32 $0xA200  }
0xd: {  	s6 =	sshrl.u32 s2, $0x3;
	[smem:$0x7FF] =	sst s7;
	s18 =	smul.u32 $0x280, s2  }
0xe: {  	s9 =	sshll.u32 s2, $0x7;
	s19 =	sand.u32 $0x1, s10;
	s8 =	smul.u32 $0x27400, s6  }
0xf: {  	s7 =	smov.u32 s15;
	p0 =	sne.s32 s2, $0x0;
	s6 =	smul.u32 $0x1400, s6  }
0x10: {  	_ =	strace $0x80000047;
	s9 =	sand.u32 $0x380, s9;
	s10 =	ssub.s32 $0x2, s19  }
0x11: {  	s26 =	sor.u32 s19, s2;
	s11 =	sshrl.u32 s10, $0x1;
	s13 =	sadd.s32 s18, s13  }
0x12: {  	s14 =	sadd.s32 s18, s14;
	s15 =	sadd.s32 s18, s15;
	s17 =	sadd.s32 s18, s1  }
0x13: {  	p1 =	sne.s32 s26, $0x0;
	s26 =	simm.s32 $0x4E20;
	s1 =	simm.s32 $0x0  }
0x14: {  	s8 =	sor.u32 s9, s8;
	s6 =	sor.u32 s9, s6;
	s25 =	ssub.s32 s10, s11  }
0x15: {  	s9 =	smov.u32 s16;
	s16 =	sadd.s32 s18, s16;
	s18 =	sadd.s32 s18, s3  }
0x16: {  	s8 =	sshrl.u32 s8, $0x3;
	s6 =	sshrl.u32 s6, $0x3;
	s19 =	smax.u32 s25, $0x1  }
0x17: {  	s8 =	sadd.s32 s8, s0;
	s6 =	sadd.s32 s6, s0;
	s0 =	sadd.s32 $0x14E00, s0  }
0x18: {  	s25 =	simm.s32 $0xA700;
	[dreg:$0xb] =	wrdreg s0;
	s10 =	sadd.s32 $0xC00, s8  }
0x19: {  	v0 =	vimm.f32 $0.0e+00;
	v1 =	vimm.f32 $1.000000000e+00;
	s11 =	sadd.s32 $0xAA00, s8;
	s12 =	sadd.s32 $0x14800, s6;
	s0 =	simm.s32 $0x280  }
.LBB2_1:
0x1a: {  	s2 =	simm.s32 $0x0  }
0x1b: {  	[tilespmem:s2], [sflag:$0x2] =	stream.strided.gather [hbm4b:s10+s20], $0x4E80, s21, s20, $0x38;
	[tilespmem:$0x10920] =	vst v63  }
0x1c: {  	_ =	swait.ge [sflag:s22], $0x4E80  }
0x1d: {  	[sflag:s22] =	ssyncset.done $0x0  }
0x1e: {  	[sflag:s22] =	ssyncadd.s32 $0xFFFFB180  }
0x1f: {  	[tilespmem:s23], [sflag:$0x2] =	stream.strided.gather [hbm4b:s11+s20], $0x4E80, s21, s20, $0x38;
	[tilespmem:$0x10920] =	vst v63  }
0x20: {  	_ =	swait.ge [sflag:s22], $0x4E80  }
0x21: {  	[sflag:s22] =	ssyncset.done $0x0  }
0x22: {  	[sflag:s22] =	ssyncadd.s32 $0xFFFFB180  }
0x23: {  	[tilespmem:s24], [sflag:$0x2] =	stream.strided.gather [hbm4b:s12+s20], $0x280, s21, s20, $0x38;
	[tilespmem:$0x10920] =	vst v63  }
0x24: {  	_ =	swait.ge [sflag:s22], $0x280  }
0x25: {  	[sflag:s22] =	ssyncset.done $0x0  }
0x26: {  	[sflag:s22] =	ssyncadd.s32 $0xFFFFFD80  }
0x27: {  	[tilespmem:$0xA700] =	vst v0  }
0x28: {  	[tilespmem:$0xA710] =	vst v0  }
0x29: {  	[tilespmem:$0xA720] =	vst v0  }
0x2a: {  	[tilespmem:$0xA730] =	vst v0  }
0x2b: {  	[tilespmem:$0xA740] =	vst v0  }
0x2c: {  	[tilespmem:$0xA750] =	vst v0  }
0x2d: {  	[tilespmem:$0xA760] =	vst v0  }
0x2e: {  	[tilespmem:$0xA770] =	vst v0  }
0x2f: {  	[tilespmem:$0xA780] =	vst v0  }
0x30: {  	[tilespmem:$0xA790] =	vst v0  }
0x31: {  	[tilespmem:$0xA7A0] =	vst v0  }
0x32: {  	[tilespmem:$0xA7B0] =	vst v0  }
0x33: {  	[tilespmem:$0xA7C0] =	vst v0  }
0x34: {  	[tilespmem:$0xA7D0] =	vst v0  }
0x35: {  	[tilespmem:$0xA7E0] =	vst v0  }
0x36: {  	[tilespmem:$0xA7F0] =	vst v0  }
0x37: {  	[tilespmem:$0xA800] =	vst v0  }
0x38: {  	[tilespmem:$0xA810] =	vst v0  }
0x39: {  	[tilespmem:$0xA820] =	vst v0  }
0x3a: {  	[tilespmem:$0xA830] =	vst v0  }
0x3b: {  	[tilespmem:$0xA840] =	vst v0  }
0x3c: {  	[tilespmem:$0xA850] =	vst v0  }
0x3d: {  	[tilespmem:$0xA860] =	vst v0  }
0x3e: {  	[tilespmem:$0xA870] =	vst v0  }
0x3f: {  	[tilespmem:$0xA880] =	vst v0  }
0x40: {  	[tilespmem:$0xA890] =	vst v0  }
0x41: {  	[tilespmem:$0xA8A0] =	vst v0  }
0x42: {  	[tilespmem:$0xA8B0] =	vst v0  }
0x43: {  	[tilespmem:$0xA8C0] =	vst v0  }
0x44: {  	[tilespmem:$0xA8D0] =	vst v0  }
0x45: {  	[tilespmem:$0xA8E0] =	vst v0  }
0x46: {  	[tilespmem:$0xA8F0] =	vst v0  }
0x47: {  	[tilespmem:$0xA900] =	vst v0  }
0x48: {  	[tilespmem:$0xA910] =	vst v0  }
0x49: {  	[tilespmem:$0xA920] =	vst v0  }
0x4a: {  	[tilespmem:$0xA930] =	vst v0  }
0x4b: {  	[tilespmem:$0xA940] =	vst v0  }
0x4c: {  	[tilespmem:$0xA950] =	vst v0  }
0x4d: {  	[tilespmem:$0xA960] =	vst v0  }
0x4e: {  	s3 =	simm.s32 $0x0;
	s2 =	simm.s32 $0x40;
	[tilespmem:$0xA970] =	vst v0  }
.LBB2_2:
0x4f: {  	p2 =	sne.s32 s2, $0x13840;
	[tilespmem:s3+$0xA980] =	vst v1;
	s3 =	smov.u32 s2;
	s2 =	sadd.s32 $0x40, s2  }
.Ltmp0:
0x50: {  	(pc) =	sbr.rel @p2 .LBB2_2-.Ltmp0, $2  }
0x51: {  	_ =	sdelay $0x2  }
0x52: {  	s3 =	sshra.s32 s3, $0x2  }
0x53: {  	[tilespmem:s3+$0xA980] =	vst v1  }
0x54: {  	[spmem:s13] =	stream.linear.scatter [tilespmem:s25], [sflag:$0x2], $0x280, $0x38;
	[tilespmem:$0x10920] =	vst v63  }
0x55: {  	_ =	swait.ge [sflag:s22], $0x280  }
0x56: {  	[sflag:s22] =	ssyncset.done $0x0  }
0x57: {  	[sflag:s22] =	ssyncadd.s32 $0xFFFFFD80  }
0x58: {  	[spmem:s14] =	stream.linear.scatter [tilespmem:s25], [sflag:$0x2], $0x280, $0x38;
	[tilespmem:$0x10920] =	vst v63  }
0x59: {  	_ =	swait.ge [sflag:s22], $0x280  }
0x5a: {  	[sflag:s22] =	ssyncset.done $0x0  }
0x5b: {  	[sflag:s22] =	ssyncadd.s32 $0xFFFFFD80  }
0x5c: {  	[spmem:s15] =	stream.linear.scatter [tilespmem:s25], [sflag:$0x2], $0x280, $0x38;
	[tilespmem:$0x10920] =	vst v63  }
0x5d: {  	_ =	swait.ge [sflag:s22], $0x280  }
0x5e: {  	[sflag:s22] =	ssyncset.done $0x0  }
0x5f: {  	v2 =	vimm.f32 @!p0 $0.0e+00;
	[sflag:s22] =	ssyncadd.s32 $0xFFFFFD80  }
0x60: {  	[tilespmem:$0xF800] =	vst @!p0 v2  }
0x61: {  	[tilespmem:$0xF810] =	vst @!p0 v2  }
0x62: {  	[tilespmem:$0xF820] =	vst @!p0 v2  }
0x63: {  	[tilespmem:$0xF830] =	vst @!p0 v2  }
0x64: {  	[tilespmem:$0xF840] =	vst @!p0 v2  }
0x65: {  	[tilespmem:$0xF850] =	vst @!p0 v2  }
0x66: {  	[tilespmem:$0xF860] =	vst @!p0 v2  }
0x67: {  	[tilespmem:$0xF870] =	vst @!p0 v2  }
0x68: {  	s2 =	simm.s32 @!p0 $0xF800;
	s3 =	simm.s32 @!p0 $0x2;
	[tilespmem:$0xF880] =	vst @!p0 v2  }
0x69: {  	[spmem:s4] =	stream.linear.scatter @!p0 [tilespmem:s2], [sflag:$0x2], $0x100, $0x38;
	[tilespmem:$0x10920] =	vst v63  }
0x6a: {  	_ =	swait.ge @!p0 [sflag:s3], $0x100  }
0x6b: {  	[sflag:s3] =	ssyncset.done @!p0 $0x0  }
0x6c: {  	[sflag:s3] =	ssyncadd.s32 @!p0 $0xFFFFFF00  }
0x6d: {  	[spmem:s5] =	stream.linear.scatter @!p0 [tilespmem:s2], [sflag:$0x2], $0x100, $0x38;
	[tilespmem:$0x10920] =	vst v63  }
0x6e: {  	_ =	swait.ge @!p0 [sflag:s3], $0x100  }
0x6f: {  	[sflag:s3] =	ssyncset.done @!p0 $0x0  }
0x70: {  	[sflag:s3] =	ssyncadd.s32 @!p0 $0xFFFFFF00  }
0x71: {  	[bflag:$0x0] =	sbarrier.arrive $0xFFFF  }
0x72: {  	s3 =	rddreg [dreg:$0x2]  }
0x73: {  	[spmem:s3] =	stream.indirect.scatter.add.f32 [tilespmem:s28], [sflag:$0x1], $0x1, s23, s26, $0xb8;
	[tilespmem:$0x10920] =	vst v63  }
0x74: {  	s6 =	simm.s32 $0x0;
	s8 =	rddreg [dreg:$0x3]  }
0x75: {  	[spmem:s8] =	stream.indirect.scatter.add.f32 [tilespmem:s28], [sflag:$0x1], $0x1, s6, s26, $0xb8;
	[tilespmem:$0x10920] =	vst v63  }
0x76: {  	_ =	swait.ge [sflag:s29], $0x4E20  }
0x77: {  	[sflag:s29] =	ssyncset.done $0x0  }
0x78: {  	[sflag:s29] =	ssyncadd.s32 $0xFFFFB1E0  }
0x79: {  	_ =	swait.ge [sflag:s29], $0x4E20  }
0x7a: {  	[sflag:s29] =	ssyncset.done $0x0  }
0x7b: {  	[sflag:s29] =	ssyncadd.s32 $0xFFFFB1E0  }
0x7c: {  	[bflag:$0x0] =	sbarrier.arrive $0xFFFF  }
0x7d: {  	[tilespmem:s30], [sflag:$0x2] =	stream.linear.gather [spmem:s13], $0x280, $0x38;
	[tilespmem:$0x10920] =	vst v63  }
0x7e: {  	_ =	swait.ge [sflag:s22], $0x280  }
0x7f: {  	[sflag:s22] =	ssyncset.done $0x0  }
0x80: {  	[sflag:s22] =	ssyncadd.s32 $0xFFFFFD80  }
0x81: {  	[tilespmem:s31], [sflag:$0x2] =	stream.linear.gather [spmem:s14], $0x280, $0x38;
	[tilespmem:$0x10920] =	vst v63  }
0x82: {  	_ =	swait.ge [sflag:s22], $0x280  }
0x83: {  	[sflag:s22] =	ssyncset.done $0x0  }
0x84: {  	s2 =	simm.s32 $0x0;
	[sflag:s22] =	ssyncadd.s32 $0xFFFFFD80  }
0x85: {  	v4 =	vld [tilespmem:s2+$0xA200];
	_ =	sdelay $0x4  }
0x86: {  	v2 =	vmax.f32 v4, $9.999999960e-13  }
0x87: {  	v3 =	vshra.s32 v2, $0x1;
	v2 =	vmul.f32 $5.000000000e-01, v2  }
0x88: {  	v3 =	vsub.s32 $0x5F3759DF, v3  }
0x89: {  	v5 =	vmul.f32 v3, v2;
	_ =	sdelay $0x1  }
0x8a: {  	v5 =	vmul.f32 v3, v5;
	_ =	sdelay $0x1  }
0x8b: {  	v5 =	vsub.f32 $1.500000000e+00, v5;
	_ =	sdelay $0x1  }
0x8c: {  	v3 =	vmul.f32 v3, v5;
	_ =	sdelay $0x1  }
0x8d: {  	v5 =	vmul.f32 v3, v2;
	_ =	sdelay $0x1  }
0x8e: {  	v5 =	vmul.f32 v5, v3;
	_ =	sdelay $0x1  }
0x8f: {  	v5 =	vsub.f32 $1.500000000e+00, v5;
	_ =	sdelay $0x1  }
0x90: {  	v3 =	vmul.f32 v5, v3;
	_ =	sdelay $0x1  }
0x91: {  	v2 =	vmul.f32 v3, v2;
	_ =	sdelay $0x1  }
0x92: {  	v2 =	vmul.f32 v2, v3;
	_ =	sdelay $0x1  }
0x93: {  	v5 =	vsub.f32 $1.500000000e+00, v2;
	v2 =	vld [tilespmem:s2+$0x9F80];
	_ =	sdelay $0x1  }
0x94: {  	v3 =	vmul.f32 v5, v3  }
0x95: {  	s8 =	simm.s32 $0x40;
	s6 =	simm.s32 $0x80;
	vm0 =	vgt.f32 v4, $0.0e+00  }
.LBB2_4:
0x96: {  	p2 =	sne.s32 s6, $0x9C0;
	v3 =	vnsel vm0, $0x0, v3  }
0x97: {  	s3 =	sshra.s32 s8, $0x2;
	s8 =	smov.u32 s6;
	vm0 =	vgt.f32 v2, $0.0e+00;
	v4 =	vmax.f32 v2, $9.999999960e-13;
	v2 =	vmul.f32 v3, v2;
	[tilespmem:s2+$0xA200] =	vst v3  }
0x98: {  	v5 =	vld [tilespmem:s3+$0xA200];
	v3 =	vshra.s32 v4, $0x1;
	v4 =	vmul.f32 $5.000000000e-01, v4  }
0x99: {  	v3 =	vsub.s32 $0x5F3759DF, v3;
	[tilespmem:s2+$0x9F80] =	vst v2  }
0x9a: {  	v2 =	vmul.f32 v3, v4;
	_ =	sdelay $0x1  }
0x9b: {  	v2 =	vmul.f32 v3, v2  }
0x9c: {  	v6 =	vmax.f32 v5, $9.999999960e-13  }
0x9d: {  	v7 =	vshra.s32 v6, $0x1;
	v6 =	vmul.f32 $5.000000000e-01, v6;
	v2 =	vsub.f32 $1.500000000e+00, v2  }
0x9e: {  	v7 =	vsub.s32 $0x5F3759DF, v7  }
0x9f: {  	v8 =	vmul.f32 v7, v6;
	v2 =	vmul.f32 v3, v2;
	_ =	sdelay $0x1  }
0xa0: {  	v3 =	vmul.f32 v7, v8;
	v8 =	vmul.f32 v2, v4;
	_ =	sdelay $0x1  }
0xa1: {  	v3 =	vsub.f32 $1.500000000e+00, v3;
	v8 =	vmul.f32 v8, v2;
	_ =	sdelay $0x1  }
0xa2: {  	v3 =	vmul.f32 v7, v3;
	v7 =	vsub.f32 $1.500000000e+00, v8;
	_ =	sdelay $0x1  }
0xa3: {  	v8 =	vmul.f32 v3, v6;
	v2 =	vmul.f32 v7, v2;
	_ =	sdelay $0x1  }
0xa4: {  	v7 =	vmul.f32 v8, v3;
	v4 =	vmul.f32 v2, v4;
	_ =	sdelay $0x1  }
0xa5: {  	v7 =	vsub.f32 $1.500000000e+00, v7;
	v4 =	vmul.f32 v4, v2;
	_ =	sdelay $0x1  }
0xa6: {  	v3 =	vmul.f32 v7, v3;
	v4 =	vsub.f32 $1.500000000e+00, v4;
	_ =	sdelay $0x1  }
0xa7: {  	v6 =	vmul.f32 v3, v6;
	v2 =	vmul.f32 v4, v2;
	_ =	sdelay $0x1  }
0xa8: {  	v4 =	vmul.f32 v6, v3;
	v2 =	vnsel vm0, $0x0, v2  }
.Ltmp1:
0xa9: {  	[tilespmem:s2+$0xA480] =	vst v2;
	s2 =	smov.u32 s3;
	(pc) =	sbr.rel @p2 .LBB2_4-.Ltmp1, $3  }
0xaa: {  	v2 =	vld [tilespmem:s2+$0x9F80];
	v4 =	vsub.f32 $1.500000000e+00, v4;
	_ =	sdelay $0x1  }
0xab: {  	v3 =	vmul.f32 v4, v3  }
0xac: {  	s6 =	sadd.s32 $0x40, s6;
	vm0 =	vgt.f32 v5, $0.0e+00  }
0xad: {  	_ = 	snop  }
0xae: {  	v4 =	vmax.f32 v2, $9.999999960e-13  }
0xaf: {  	v5 =	vshra.s32 v4, $0x1;
	v4 =	vmul.f32 $5.000000000e-01, v4  }
0xb0: {  	v5 =	vsub.s32 $0x5F3759DF, v5  }
0xb1: {  	v6 =	vmul.f32 v5, v4;
	_ =	sdelay $0x1  }
0xb2: {  	v6 =	vmul.f32 v5, v6;
	_ =	sdelay $0x1  }
0xb3: {  	v6 =	vsub.f32 $1.500000000e+00, v6;
	_ =	sdelay $0x1  }
0xb4: {  	v5 =	vmul.f32 v5, v6;
	_ =	sdelay $0x1  }
0xb5: {  	v6 =	vmul.f32 v5, v4;
	_ =	sdelay $0x1  }
0xb6: {  	v6 =	vmul.f32 v6, v5;
	_ =	sdelay $0x1  }
0xb7: {  	v6 =	vsub.f32 $1.500000000e+00, v6;
	_ =	sdelay $0x1  }
0xb8: {  	v5 =	vmul.f32 v6, v5;
	_ =	sdelay $0x1  }
0xb9: {  	v4 =	vmul.f32 v5, v4;
	_ =	sdelay $0x1  }
0xba: {  	v4 =	vmul.f32 v4, v5;
	_ =	sdelay $0x1  }
0xbb: {  	v4 =	vsub.f32 $1.500000000e+00, v4  }
0xbc: {  	v3 =	vnsel vm0, $0x0, v3  }
0xbd: {  	s3 =	sshra.s32 s8, $0x2;
	v54 =	vmul.f32 v3, v2;
	[tilespmem:s2+$0xA200] =	vst v3;
	v3 =	vmul.f32 v4, v5  }
0xbe: {  	vm13 =	vgt.f32 v2, $0.0e+00;
	v2 =	vld [tilespmem:s3+$0xA200]  }
0xbf: {  	[tilespmem:s2+$0x9F80] =	vst v54;
	v3 =	vnsel vm13, $0x0, v3  }
0xc0: {  	[tilespmem:s2+$0xA480] =	vst v3  }
0xc1: {  	v3 =	vld [tilespmem:s3+$0x9F80];
	_ =	sdelay $0x1  }
0xc2: {  	v55 =	vmax.f32 v2, $9.999999960e-13  }
0xc3: {  	v56 =	vshra.s32 v55, $0x1;
	v4 =	vmul.f32 $5.000000000e-01, v55  }
0xc4: {  	v5 =	vsub.s32 $0x5F3759DF, v56  }
0xc5: {  	v57 =	vmul.f32 v5, v4;
	v7 =	vmax.f32 v3, $9.999999960e-13  }
0xc6: {  	v8 =	vshra.s32 v7, $0x1;
	v7 =	vmul.f32 $5.000000000e-01, v7  }
0xc7: {  	v6 =	vmul.f32 v5, v57;
	v8 =	vsub.s32 $0x5F3759DF, v8  }
0xc8: {  	v9 =	vmul.f32 v8, v7  }
0xc9: {  	v6 =	vsub.f32 $1.500000000e+00, v6  }
0xca: {  	v9 =	vmul.f32 v8, v9  }
0xcb: {  	v5 =	vmul.f32 v5, v6  }
0xcc: {  	v58 =	vsub.f32 $1.500000000e+00, v9  }
0xcd: {  	v59 =	vmul.f32 v5, v4  }
0xce: {  	v6 =	vmul.f32 v8, v58  }
0xcf: {  	v60 =	vmul.f32 v59, v5  }
0xd0: {  	v61 =	vmul.f32 v6, v7  }
0xd1: {  	v8 =	vsub.f32 $1.500000000e+00, v60  }
0xd2: {  	v9 =	vmul.f32 v61, v6  }
0xd3: {  	v5 =	vmul.f32 v8, v5  }
0xd4: {  	v62 =	vsub.f32 $1.500000000e+00, v9  }
0xd5: {  	v4 =	vmul.f32 v5, v4  }
0xd6: {  	v6 =	vmul.f32 v62, v6  }
0xd7: {  	v4 =	vmul.f32 v4, v5  }
0xd8: {  	v7 =	vmul.f32 v6, v7  }
0xd9: {  	v4 =	vsub.f32 $1.500000000e+00, v4  }
0xda: {  	v7 =	vmul.f32 v7, v6  }
0xdb: {  	v4 =	vmul.f32 v4, v5  }
0xdc: {  	vm14 =	vgt.f32 v2, $0.0e+00;
	v2 =	vsub.f32 $1.500000000e+00, v7  }
0xdd: {  	v4 =	vnsel vm14, $0x0, v4  }
0xde: {  	v63 =	vmul.f32 v4, v3;
	v2 =	vmul.f32 v2, v6  }
0xdf: {  	vm15 =	vgt.f32 v3, $0.0e+00;
	[tilespmem:s3+$0xA200] =	vst v4  }
0xe0: {  	[tilespmem:s3+$0x9F80] =	vst v63;
	v2 =	vnsel vm15, $0x0, v2  }
0xe1: {  	[tilespmem:s3+$0xA480] =	vst v2  }
0xe2: {  	[spmem:s16] =	stream.linear.scatter [tilespmem:s30], [sflag:$0x2], $0x280, $0x38;
	[tilespmem:$0x10920] =	vst v63  }
0xe3: {  	_ =	swait.ge [sflag:s22], $0x280  }
0xe4: {  	[sflag:s22] =	ssyncset.done $0x0  }
0xe5: {  	[sflag:s22] =	ssyncadd.s32 $0xFFFFFD80  }
0xe6: {  	[spmem:s17] =	stream.linear.scatter [tilespmem:s31], [sflag:$0x2], $0x280, $0x38;
	[tilespmem:$0x10920] =	vst v63  }
0xe7: {  	_ =	swait.ge [sflag:s22], $0x280  }
0xe8: {  	[sflag:s22] =	ssyncset.done $0x0  }
0xe9: {  	s6 =	simm.s32 $0xA480;
	[sflag:s22] =	ssyncadd.s32 $0xFFFFFD80  }
0xea: {  	[spmem:s18] =	stream.linear.scatter [tilespmem:s6], [sflag:$0x2], $0x280, $0x38;
	[tilespmem:$0x10920] =	vst v63  }
0xeb: {  	_ =	swait.ge [sflag:s22], $0x280  }
0xec: {  	[sflag:s22] =	ssyncset.done $0x0  }
0xed: {  	[sflag:s22] =	ssyncadd.s32 $0xFFFFFD80  }
0xee: {  	s8 =	simm.s32 $0x0;
	[bflag:$0x0] =	sbarrier.arrive $0xFFFF  }
0xef: {  	[tilespmem:s28], [sflag:$0x2] =	stream.indirect.gather [spmem:s9], $0x1, s8, s26, $0xb8;
	[tilespmem:$0x10920] =	vst v63  }
0xf0: {  	_ =	swait.ge [sflag:s22], $0x4E20  }
0xf1: {  	[sflag:s22] =	ssyncset.done $0x0  }
0xf2: {  	[sflag:s22] =	ssyncadd.s32 $0xFFFFB1E0  }
0xf3: {  	[spmem:s7] =	stream.indirect.scatter.add.f32 [tilespmem:s28], [sflag:$0x2], $0x1, s23, s26, $0xb8;
	[tilespmem:$0x10920] =	vst v63  }
0xf4: {  	_ =	swait.ge [sflag:s22], $0x4E20  }
0xf5: {  	[sflag:s22] =	ssyncset.done $0x0  }
0xf6: {  	[sflag:s22] =	ssyncadd.s32 $0xFFFFB1E0  }
0xf7: {  	[bflag:$0x0] =	sbarrier.arrive $0xFFFF  }
0xf8: {  	[tilespmem:s30], [sflag:$0x2] =	stream.linear.gather [spmem:s15], $0x280, $0x38;
	[tilespmem:$0x10920] =	vst v63  }
0xf9: {  	_ =	swait.ge [sflag:s22], $0x280  }
0xfa: {  	[sflag:s22] =	ssyncset.done $0x0  }
0xfb: {  	s2 =	simm.s32 $0x0;
	[sflag:s22] =	ssyncadd.s32 $0xFFFFFD80  }
0xfc: {  	s3 =	simm.s32 $0x40;
	v2 =	vld [tilespmem:s2+$0xA480]  }
.LBB2_6:
0xfd: {  	p2 =	sne.s32 s3, $0x9C0;
	v3 =	vld [tilespmem:s2+$0x9F80];
	_ =	sdelay $0x1  }
0xfe: {  	v4 =	vld [tilespmem:s2+$0xA200];
	_ =	sdelay $0x2  }
.Ltmp2:
0xff: {  	v2 =	vmul.f32 v2, v3;
	(pc) =	sbr.rel @p2 .LBB2_6-.Ltmp2, $4  }
0x100: {  	_ = 	snop  }
0x101: {  	v3 =	vmul.f32 v2, v4  }
0x102: {  	s6 =	sshra.s32 s3, $0x2  }
0x103: {  	s3 =	sadd.s32 $0x40, s3;
	v2 =	vld [tilespmem:s6+$0xA480];
	[tilespmem:s2+$0x9F80] =	vst v3;
	s2 =	smov.u32 s6  }
0x104: {  	v3 =	vld [tilespmem:s2+$0x9F80];
	_ =	sdelay $0x1  }
0x105: {  	v4 =	vld [tilespmem:s2+$0xA200];
	_ =	sdelay $0x2  }
0x106: {  	v2 =	vmul.f32 v2, v3;
	_ =	sdelay $0x1  }
0x107: {  	v2 =	vmul.f32 v2, v4;
	_ =	sdelay $0x1  }
0x108: {  	[tilespmem:s2+$0x9F80] =	vst v2  }
0x109: {  	[spmem:s16] =	stream.linear.scatter [tilespmem:s30], [sflag:$0x2], $0x280, $0x38;
	[tilespmem:$0x10920] =	vst v63  }
0x10a: {  	_ =	swait.ge [sflag:s22], $0x280  }
0x10b: {  	[sflag:s22] =	ssyncset.done $0x0  }
0x10c: {  	[sflag:s22] =	ssyncadd.s32 $0xFFFFFD80  }
0x10d: {  	[spmem:s15] =	stream.linear.scatter [tilespmem:s25], [sflag:$0x2], $0x280, $0x38;
	[tilespmem:$0x10920] =	vst v63  }
0x10e: {  	_ =	swait.ge [sflag:s22], $0x280  }
0x10f: {  	[sflag:s22] =	ssyncset.done $0x0  }
0x110: {  	[sflag:s22] =	ssyncadd.s32 $0xFFFFFD80  }
0x111: {  	s8 =	simm.s32 $0x0;
	[bflag:$0x0] =	sbarrier.arrive $0xFFFF  }
0x112: {  	[tilespmem:s28], [sflag:$0x2] =	stream.indirect.gather [spmem:s9], $0x1, s8, s26, $0xb8;
	[tilespmem:$0x10920] =	vst v63  }
0x113: {  	_ =	swait.ge [sflag:s22], $0x4E20  }
0x114: {  	[sflag:s22] =	ssyncset.done $0x0  }
0x115: {  	[sflag:s22] =	ssyncadd.s32 $0xFFFFB1E0  }
0x116: {  	[spmem:s7] =	stream.indirect.scatter.add.f32 [tilespmem:s28], [sflag:$0x2], $0x1, s23, s26, $0xb8;
	[tilespmem:$0x10920] =	vst v63  }
0x117: {  	_ =	swait.ge [sflag:s22], $0x4E20  }
0x118: {  	[sflag:s22] =	ssyncset.done $0x0  }
0x119: {  	[sflag:s22] =	ssyncadd.s32 $0xFFFFB1E0  }
0x11a: {  	[bflag:$0x0] =	sbarrier.arrive $0xFFFF  }
0x11b: {  	[tilespmem:s30], [sflag:$0x2] =	stream.linear.gather [spmem:s15], $0x280, $0x38;
	[tilespmem:$0x10920] =	vst v63  }
0x11c: {  	_ =	swait.ge [sflag:s22], $0x280  }
0x11d: {  	[sflag:s22] =	ssyncset.done $0x0  }
0x11e: {  	s2 =	simm.s32 $0x0;
	[sflag:s22] =	ssyncadd.s32 $0xFFFFFD80  }
0x11f: {  	s3 =	simm.s32 $0x40;
	v2 =	vld [tilespmem:s2+$0xA480]  }
.LBB2_8:
0x120: {  	p2 =	sne.s32 s3, $0x9C0;
	v3 =	vld [tilespmem:s2+$0x9F80];
	_ =	sdelay $0x2  }
.Ltmp3:
0x121: {  	(pc) =	sbr.rel @p2 .LBB2_8-.Ltmp3, $4  }
0x122: {  	_ = 	snop  }
0x123: {  	v3 =	vmul.f32 v2, v3  }
0x124: {  	s6 =	sshra.s32 s3, $0x2  }
0x125: {  	s3 =	sadd.s32 $0x40, s3;
	v2 =	vld [tilespmem:s6+$0xA480];
	[tilespmem:s2+$0x9F80] =	vst v3;
	s2 =	smov.u32 s6  }
0x126: {  	v3 =	vld [tilespmem:s2+$0x9F80];
	_ =	sdelay $0x4  }
0x127: {  	v2 =	vmul.f32 v2, v3;
	_ =	sdelay $0x1  }
0x128: {  	[tilespmem:s2+$0x9F80] =	vst v2  }
0x129: {  	[tilespmem:$0xA200] =	vst v1  }
0x12a: {  	[tilespmem:$0xA210] =	vst v1  }
0x12b: {  	[tilespmem:$0xA220] =	vst v1  }
0x12c: {  	[tilespmem:$0xA230] =	vst v1  }
0x12d: {  	[tilespmem:$0xA240] =	vst v1  }
0x12e: {  	[tilespmem:$0xA250] =	vst v1  }
0x12f: {  	[tilespmem:$0xA260] =	vst v1  }
0x130: {  	[tilespmem:$0xA270] =	vst v1  }
0x131: {  	[tilespmem:$0xA280] =	vst v1  }
0x132: {  	[tilespmem:$0xA290] =	vst v1  }
0x133: {  	[tilespmem:$0xA2A0] =	vst v1  }
0x134: {  	[tilespmem:$0xA2B0] =	vst v1  }
0x135: {  	[tilespmem:$0xA2C0] =	vst v1  }
0x136: {  	[tilespmem:$0xA2D0] =	vst v1  }
0x137: {  	[tilespmem:$0xA2E0] =	vst v1  }
0x138: {  	[tilespmem:$0xA2F0] =	vst v1  }
0x139: {  	[tilespmem:$0xA300] =	vst v1  }
0x13a: {  	[tilespmem:$0xA310] =	vst v1  }
0x13b: {  	[tilespmem:$0xA320] =	vst v1  }
0x13c: {  	[tilespmem:$0xA330] =	vst v1  }
0x13d: {  	[tilespmem:$0xA340] =	vst v1  }
0x13e: {  	[tilespmem:$0xA350] =	vst v1  }
0x13f: {  	[tilespmem:$0xA360] =	vst v1  }
0x140: {  	[tilespmem:$0xA370] =	vst v1  }
0x141: {  	[tilespmem:$0xA380] =	vst v1  }
0x142: {  	[tilespmem:$0xA390] =	vst v1  }
0x143: {  	[tilespmem:$0xA3A0] =	vst v1  }
0x144: {  	[tilespmem:$0xA3B0] =	vst v1  }
0x145: {  	[tilespmem:$0xA3C0] =	vst v1  }
0x146: {  	[tilespmem:$0xA3D0] =	vst v1  }
0x147: {  	[tilespmem:$0xA3E0] =	vst v1  }
0x148: {  	[tilespmem:$0xA3F0] =	vst v1  }
0x149: {  	[tilespmem:$0xA400] =	vst v1  }
0x14a: {  	[tilespmem:$0xA410] =	vst v1  }
0x14b: {  	[tilespmem:$0xA420] =	vst v1  }
0x14c: {  	[tilespmem:$0xA430] =	vst v1  }
0x14d: {  	[tilespmem:$0xA440] =	vst v1  }
0x14e: {  	[tilespmem:$0xA450] =	vst v1  }
0x14f: {  	[tilespmem:$0xA460] =	vst v1  }
0x150: {  	[tilespmem:$0xA470] =	vst v1  }
0x151: {  	[spmem:s4] =	stream.indirect.scatter.add.f32 [tilespmem:s30], [sflag:$0x2], $0x1, s24, s0, $0xb8;
	[tilespmem:$0x10920] =	vst v63  }
0x152: {  	_ =	swait.ge [sflag:s22], $0x280  }
0x153: {  	[sflag:s22] =	ssyncset.done $0x0  }
0x154: {  	[sflag:s22] =	ssyncadd.s32 $0xFFFFFD80  }
0x155: {  	[spmem:s5] =	stream.indirect.scatter.add.f32 [tilespmem:s31], [sflag:$0x2], $0x1, s24, s0, $0xb8;
	[tilespmem:$0x10920] =	vst v63  }
0x156: {  	_ =	swait.ge [sflag:s22], $0x280  }
0x157: {  	[sflag:s22] =	ssyncset.done $0x0  }
0x158: {  	[sflag:s22] =	ssyncadd.s32 $0xFFFFFD80  }
0x159: {  	s3 =	simm.s32 @!p1 $0x2;
	s2 =	simm.s32 @!p1 $0xF800;
	[bflag:$0x0] =	sbarrier.arrive $0xFFFF  }
0x15a: {  	[tilespmem:s2], [sflag:$0x2] =	stream.linear.gather @!p1 [spmem:s4], $0x100, $0x38;
	[tilespmem:$0x10920] =	vst v63  }
0x15b: {  	_ =	swait.ge @!p1 [sflag:s3], $0x100  }
0x15c: {  	[sflag:s3] =	ssyncset.done @!p1 $0x0  }
0x15d: {  	[sflag:s3] =	ssyncadd.s32 @!p1 $0xFFFFFF00  }
0x15e: {  	s6 =	simm.s32 @!p1 $0x0;
	s8 =	rddreg [dreg:$0x1]  }
0x15f: {  	[hbm4b:s8+s6] =	stream.linear.scatter @!p1 [tilespmem:s2], [sflag:$0x2], $0x100, $0x38;
	[tilespmem:$0x10920] =	vst v63  }
0x160: {  	_ =	swait.ge @!p1 [sflag:s3], $0x100  }
0x161: {  	[sflag:s3] =	ssyncset.done @!p1 $0x0  }
0x162: {  	s2 =	simm.s32 @!p1 $0xF900;
	[sflag:s3] =	ssyncadd.s32 @!p1 $0xFFFFFF00  }
0x163: {  	[tilespmem:s2], [sflag:$0x2] =	stream.linear.gather @!p1 [spmem:s5], $0x100, $0x38;
	[tilespmem:$0x10920] =	vst v63  }
0x164: {  	s1 =	sadd.s32 $0x1, s1;
	_ =	swait.ge @!p1 [sflag:s3], $0x100  }
0x165: {  	p2 =	sne.s32 s1, s19;
	[sflag:s3] =	ssyncset.done @!p1 $0x0  }
.Ltmp4:
0x166: {  	s8 =	rddreg [dreg:$0xb];
	[sflag:s3] =	ssyncadd.s32 @!p1 $0xFFFFFF00;
	(pc) =	sbr.rel @p2 .LBB2_1-.Ltmp4, $4  }
0x167: {  	[hbm4b:s8+s6] =	stream.linear.scatter @!p1 [tilespmem:s2], [sflag:$0x2], $0x100, $0x38;
	[tilespmem:$0x10920] =	vst v63  }
0x168: {  	_ =	swait.ge @!p1 [sflag:s3], $0x100  }
0x169: {  	[sflag:s3] =	ssyncset.done @!p1 $0x0  }
0x16a: {  	[sflag:s3] =	ssyncadd.s32 @!p1 $0xFFFFFF00  }
0x16b: {  	_ =	sfence.sel $0x180000  }
0x16c: {  	[bflag:$0x0] =	sbarrier.arrive $0xFFFF  }
0x16d: {  	_ =	strace $0x90000047  }
0x16e: {  	[bflag:$0x2] =	sbarrier.arrive $0xFFFF  }
0x16f: {  	s0 =	rddreg [dreg:$0xa]  }
0x170: {  	s0 =	sadd.s32 @!p0 $0x100000, s0  }
0x171: {  	[sflag:s0] =	ssyncadd.tile.s32 @!p0 $0x1;
	_ =	shalt  }
.Lfunc_end2:
_tile_overlayer_lowered:
.L_overlay_start_2:
0x172: {  	(tag) =	ssettag $0x2  }
0x173: {  	s0 =	rddreg [dreg:$0x0];
	s2 =	stileid.u32  }
0x174: {  	s1 =	rddreg [dreg:$0x1];
	p0 =	sne.s32 s2, $0x0  }
0x175: {  	s3 =	rddreg [dreg:$0x2];
	[bflag:$0x3] =	sbarrier.arrive $0xFFFF;
	s2 =	simm.s32 @!p0 $0x1C02  }
0x176: {  	[timem:s3], [sflag:s2] =	dma.local @!p0 [hbm:s0], s1  }
0x177: {  	s0 =	simm.s32 @!p0 $0x2  }
0x178: {  	_ =	swait.ge @!p0 [sflag:s0], s1  }
0x179: {  	s1 =	ssub.s32 @!p0 $0x0, s1;
	[sflag:s0] =	ssyncset.done @!p0 $0x0  }
0x17a: {  	[sflag:s0] =	ssyncadd.s32 @!p0 s1  }
0x17b: {  	[bflag:$0x3] =	sbarrier.arrive $0xFFFF  }
0x17c: {  	_ =	shalt  }

</sc_bundles>
